<compile_context>
chip_gen: v7x
topology: tpu7x:2x2x1
jax: 0.10.2.dev20260603
libtpu: 0.0.44.dev20260713+nightly
codegen_flags: <defaults>
</compile_context>

<pallas_src>
import functools

import jax
import jax.numpy as jnp
from jax import lax
from jax.experimental import pallas as pl
from jax.experimental.pallas import tpu as pltpu
from jax.experimental.pallas import tpu_sc as plsc

B = 16384
F = 64
_NC = 2
_NS = 16
_NW = _NC * _NS
_BPW = B // _NW
_CH = 128
_NCH = _BPW // _CH


def _sc_gather1(pidx, tab2):
    mesh = plsc.VectorSubcoreMesh(core_axis_name="c", subcore_axis_name="s")

    @functools.partial(
        pl.kernel,
        mesh=mesh,
        out_type=jax.ShapeDtypeStruct((B, 2 * F), jnp.float32),
        scratch_types=[
            pltpu.VMEM((_CH,), jnp.int32),
            pltpu.VMEM((_CH,), jnp.int32),
            pltpu.VMEM((_CH, 2 * F), jnp.float32),
            pltpu.VMEM((_CH, 2 * F), jnp.float32),
            pltpu.SemaphoreType.DMA,
            pltpu.SemaphoreType.DMA,
        ],
    )
    def k(pidx_h, tab_h, out_h, idx0, idx1, buf0, buf1, sem0, sem1):
        wid = lax.axis_index("s") * _NC + lax.axis_index("c")
        base = wid * _BPW
        idxs = (idx0, idx1)
        bufs = (buf0, buf1)
        sems = (sem0, sem1)

        def fire(c, sp):
            off = base + c * _CH
            pltpu.sync_copy(pidx_h.at[pl.ds(off, _CH)], idxs[sp])
            pltpu.async_copy(tab_h.at[idxs[sp]], bufs[sp], sems[sp])

        def drain_store(c, sp):
            pltpu.make_async_copy(tab_h.at[idxs[sp]], bufs[sp],
                                  sems[sp]).wait()
            off = base + c * _CH
            pltpu.sync_copy(bufs[sp], out_h.at[pl.ds(off, _CH)])

        fire(0, 0)

        def step(t, carry):
            c = t * 2

            @pl.when(c + 1 < _NCH)
            def _():
                fire(c + 1, 1)

            drain_store(c, 0)

            @pl.when(c + 2 < _NCH)
            def _():
                fire(c + 2, 0)

            drain_store(c + 1, 1)
            return carry

        lax.fori_loop(0, _NCH // 2, step, 0)

    return k(pidx, tab2)


def _tc_head(eug2, eig2, eum2, eim2, w1a_t, w1b_t, b1r, wg, wh,
             bp11):
    BB = 2048

    def body(eug_r, eig_r, eum_r, eim_r, w1a_r, w1b_r, b1_r,
             wg_r, wh_r, bp_r, out_r):
        eug = eug_r[:, :F]
        eum = eum_r[:, :F]
        eig = eig_r[:, :F]
        eim = eim_r[:, :F]
        h = jnp.dot(eum, w1a_r[...], preferred_element_type=jnp.float32)
        h = h + jnp.dot(eim, w1b_r[...], preferred_element_type=jnp.float32)
        h = jnp.maximum(h + b1_r[...], 0.0)
        gmf = eug * eig
        logit = (jnp.sum(gmf * wg_r[...], axis=1, keepdims=True)
                 + jnp.sum(h * wh_r[...], axis=1, keepdims=True)
                 + bp_r[...])
        out_r[...] = 1.0 / (1.0 + jnp.exp(-logit))

    batch_spec = pl.BlockSpec((BB, 2 * F), lambda i: (i, 0))
    full_spec = pl.BlockSpec((F, F), lambda i: (0, 0))
    row_spec = pl.BlockSpec((1, F), lambda i: (0, 0))
    return pl.pallas_call(
        body,
        grid=(B // BB,),
        in_specs=[batch_spec, batch_spec, batch_spec, batch_spec,
                  full_spec, full_spec, row_spec, row_spec, row_spec,
                  pl.BlockSpec((1, 1), lambda i: (0, 0))],
        out_specs=pl.BlockSpec((BB, 1), lambda i: (i, 0)),
        out_shape=jax.ShapeDtypeStruct((B, 1), jnp.float32),
    )(eug2, eig2, eum2, eim2, w1a_t, w1b_t, b1r, wg, wh, bp11)


def kernel(user, item, embed_user_GMF, embed_item_GMF, embed_user_MLP,
           embed_item_MLP, W1, b1, Wp, bp):
    user = user.astype(jnp.int32)
    item = item.astype(jnp.int32)
    pad = ((0, 0), (0, F))
    eig2 = _sc_gather1(item, jnp.pad(embed_item_GMF, pad))
    eim2 = _sc_gather1(item, jnp.pad(embed_item_MLP, pad))
    eug2 = _sc_gather1(user, jnp.pad(embed_user_GMF, pad))
    eum2 = _sc_gather1(user, jnp.pad(embed_user_MLP, pad))
    w1a_t = W1[:, :F].T
    w1b_t = W1[:, F:].T
    b1r = b1.reshape(1, F)
    wg = Wp[0, :F].reshape(1, F)
    wh = Wp[0, F:].reshape(1, F)
    bp11 = bp.reshape(1, 1)
    out = _tc_head(eug2, eig2, eum2, eim2, w1a_t, w1b_t, b1r,
                   wg, wh, bp11)
    return out.reshape(B)

# --- scband reference (transcript-rebuilt; emitter-appended) ---
"""Pipeline reference for scband-ncf-51204600103084 (READ-ONLY COPY).

The authoritative reference and input builder live on the scoring server;
editing this copy changes nothing except your own understanding.
"""

import jax, jax.numpy as jnp
import numpy as np

B = 16384
U = 1000000
I = 100000
F = 64

def setup_inputs(seed: int = 0) -> dict:
    key = jax.random.key(seed)
    ks = jax.random.split(key, 10)
    user = jax.random.randint(ks[0], (B,), 0, U, dtype=jnp.int64) if jax.config.jax_enable_x64 else jax.random.randint(ks[0], (B,), 0, U).astype(jnp.int32)
    item = jax.random.randint(ks[1], (B,), 0, I).astype(user.dtype)
    embed_user_GMF = jax.random.normal(ks[2], (U, F), jnp.float32) * 0.01
    embed_item_GMF = jax.random.normal(ks[3], (I, F), jnp.float32) * 0.01
    embed_user_MLP = jax.random.normal(ks[4], (U, F), jnp.float32) * 0.01
    embed_item_MLP = jax.random.normal(ks[5], (I, F), jnp.float32) * 0.01
    # MLP layer (num_layers=1): Linear(2F -> F)
    W1 = jax.random.normal(ks[6], (F, 2 * F), jnp.float32) * 0.05
    b1 = jnp.zeros((F,), jnp.float32)
    # predict layer: Linear(F + F -> 1)
    Wp = jax.random.normal(ks[7], (1, 2 * F), jnp.float32) * 0.05
    bp = jnp.zeros((1,), jnp.float32)
    return {"user": user, "item": item,
            "embed_user_GMF": embed_user_GMF, "embed_item_GMF": embed_item_GMF,
            "embed_user_MLP": embed_user_MLP, "embed_item_MLP": embed_item_MLP,
            "W1": W1, "b1": b1, "Wp": Wp, "bp": bp}

def reference(user, item, embed_user_GMF, embed_item_GMF, embed_user_MLP, embed_item_MLP, W1, b1, Wp, bp):
    # GMF branch
    eu_g = jnp.take(embed_user_GMF, user, axis=0)
    ei_g = jnp.take(embed_item_GMF, item, axis=0)
    output_GMF = eu_g * ei_g
    # MLP branch
    eu_m = jnp.take(embed_user_MLP, user, axis=0)
    ei_m = jnp.take(embed_item_MLP, item, axis=0)
    input_MLP = jnp.concatenate([eu_m, ei_m], axis=-1)
    # Dropout is identity in eval mode
    h = jax.nn.relu(input_MLP @ W1.T + b1)
    concat = jnp.concatenate([output_GMF, h], axis=-1)
    prediction = jax.nn.sigmoid(concat @ Wp.T + bp)
    return prediction.squeeze()

if __name__ == "__main__":
    import jax
    _d = setup_inputs()
    print(jax.jit(kernel)(*tuple(_d.values())))

</pallas_src>

<mosaic_0001>
#map = affine_map<(d0, d1) -> (0)>
#map1 = affine_map<(d0, d1) -> (0, 0)>
module attributes {stable_mosaic.version = 14 : i64} {
  func.func @k(%arg0: i32, %arg1: i32, %arg2: memref<16384xi32, #tpu.memory_space<hbm>>, %arg3: memref<1000000x128xf32, #tpu.memory_space<hbm>>, %arg4: memref<16384x128xf32, #tpu.memory_space<hbm>>, %arg5: memref<128xi32, #tpu.memory_space<vmem>>, %arg6: memref<128xi32, #tpu.memory_space<vmem>>, %arg7: memref<128x128xf32, #tpu.memory_space<vmem>>, %arg8: memref<128x128xf32, #tpu.memory_space<vmem>>, %arg9: memref<!tpu.dma_semaphore, #tpu.memory_space<semaphore_mem>>, %arg10: memref<!tpu.dma_semaphore, #tpu.memory_space<semaphore_mem>>) attributes {dimension_semantics = [#tpu.dimension_semantics<core_parallel>, #tpu.dimension_semantics<subcore_parallel>], iteration_bounds = array<i64: 2, 16>, scalar_prefetch = 0 : i64, scratch_operands = 6 : i64, tpu.core_type = #tpu.core_type<sc_vector_subcore>, window_params = [{transform_indices = #map}, {transform_indices = #map1}, {transform_indices = #map1}]} {
    %mul3A = arith.constant 2 : i32
    %mul3A_0 = arith.muli %arg1, %mul3A : i32
    %add3A = arith.addi %mul3A_0, %arg0 : i32
    %mul3A_1 = arith.constant 512 : i32
    %mul3A_2 = arith.muli %add3A, %mul3A_1 : i32
    %add3A_3 = arith.constant 0 : i32
    %add3A_4 = arith.addi %mul3A_2, %add3A_3 : i32
    "tpu.region"() ({
      %run_scoped3A = tpu.sem_alloc : memref<!tpu.dma_semaphore, #tpu.memory_space<semaphore_mem>>
      %dma_start3A_12 = tpu.memref_slice %arg2[%add3A_4] : memref<16384xi32, #tpu.memory_space<hbm>> -> memref<128xi32, #tpu.memory_space<hbm>>
      %dma_start3A_13 = tpu.memref_slice %arg2[%add3A_4] : memref<16384xi32, #tpu.memory_space<hbm>> -> memref<128xi32, #tpu.memory_space<hbm>>
      tpu.enqueue_dma source(%dma_start3A_13 : memref<128xi32, #tpu.memory_space<hbm>>) target(%arg5 : memref<128xi32, #tpu.memory_space<vmem>>) target_semaphore(%run_scoped3A : memref<!tpu.dma_semaphore, #tpu.memory_space<semaphore_mem>>)
      %dma_wait3A = tpu.memref_slice %arg2[%add3A_4] : memref<16384xi32, #tpu.memory_space<hbm>> -> memref<128xi32, #tpu.memory_space<hbm>>
      %dma_wait3A_14 = tpu.memref_slice %arg2[%add3A_4] : memref<16384xi32, #tpu.memory_space<hbm>> -> memref<128xi32, #tpu.memory_space<hbm>>
      tpu.wait_dma2 semaphore(%run_scoped3A : memref<!tpu.dma_semaphore, #tpu.memory_space<semaphore_mem>>) src(%dma_wait3A_14 : memref<128xi32, #tpu.memory_space<hbm>>) dst(%arg5 : memref<128xi32, #tpu.memory_space<vmem>>)
      tpu.yield
    }) : () -> ()
    %dma_start3A = arith.constant 0 : i32
    %dma_start3A_5 = arith.constant 0 : i32
    %dma_start3A_6 = tpu.memref_slice %arg3[%dma_start3A, %dma_start3A_5] : memref<1000000x128xf32, #tpu.memory_space<hbm>> -> memref<1000000x128xf32, #tpu.memory_space<hbm>>
    tpu.enqueue_indirect_dma source(%dma_start3A_6 : memref<1000000x128xf32, #tpu.memory_space<hbm>>) target(%arg7 : memref<128x128xf32, #tpu.memory_space<vmem>>) offsets(%arg5 : memref<128xi32, #tpu.memory_space<vmem>>) semaphore(%arg9 : memref<!tpu.dma_semaphore, #tpu.memory_space<semaphore_mem>>)
    %scan3A = arith.constant 0 : i32
    %scan3A_7 = arith.constant 0 : i32
    %scan3A_8 = arith.constant 2 : i32
    %scan3A_9 = arith.addi %scan3A_7, %scan3A_8 : i32
    %scan3A_10 = arith.constant 1 : i32
    scf.for %scan3A_12 = %scan3A_7 to %scan3A_9 step %scan3A_10  : i32 {
      %mul3A_13 = arith.constant 2 : i32
      %mul3A_14 = arith.muli %scan3A_12, %mul3A_13 : i32
      %add3A_15 = arith.constant 1 : i32
      %add3A_16 = arith.addi %mul3A_14, %add3A_15 : i32
      %lt3A = arith.constant 4 : i32
      %lt3A_17 = arith.cmpi slt, %add3A_16, %lt3A : i32
      %convert_element_type3A = arith.extui %lt3A_17 : i1 to i32
      %cond3A = arith.constant 0 : i32
      %cond3A_18 = arith.cmpi ne, %convert_element_type3A, %cond3A : i32
      scf.if %cond3A_18 {
        %add3A_39 = arith.constant 1 : i32
        %add3A_40 = arith.addi %mul3A_14, %add3A_39 : i32
        %mul3A_41 = arith.constant 128 : i32
        %mul3A_42 = arith.muli %add3A_40, %mul3A_41 : i32
        %add3A_43 = arith.addi %mul3A_2, %mul3A_42 : i32
        "tpu.region"() ({
          %run_scoped3A = tpu.sem_alloc : memref<!tpu.dma_semaphore, #tpu.memory_space<semaphore_mem>>
          %dma_start3A_47 = tpu.memref_slice %arg2[%add3A_43] : memref<16384xi32, #tpu.memory_space<hbm>> -> memref<128xi32, #tpu.memory_space<hbm>>
          %dma_start3A_48 = tpu.memref_slice %arg2[%add3A_43] : memref<16384xi32, #tpu.memory_space<hbm>> -> memref<128xi32, #tpu.memory_space<hbm>>
          tpu.enqueue_dma source(%dma_start3A_48 : memref<128xi32, #tpu.memory_space<hbm>>) target(%arg6 : memref<128xi32, #tpu.memory_space<vmem>>) target_semaphore(%run_scoped3A : memref<!tpu.dma_semaphore, #tpu.memory_space<semaphore_mem>>)
          %dma_wait3A_49 = tpu.memref_slice %arg2[%add3A_43] : memref<16384xi32, #tpu.memory_space<hbm>> -> memref<128xi32, #tpu.memory_space<hbm>>
          %dma_wait3A_50 = tpu.memref_slice %arg2[%add3A_43] : memref<16384xi32, #tpu.memory_space<hbm>> -> memref<128xi32, #tpu.memory_space<hbm>>
          tpu.wait_dma2 semaphore(%run_scoped3A : memref<!tpu.dma_semaphore, #tpu.memory_space<semaphore_mem>>) src(%dma_wait3A_50 : memref<128xi32, #tpu.memory_space<hbm>>) dst(%arg6 : memref<128xi32, #tpu.memory_space<vmem>>)
          tpu.yield
        }) : () -> ()
        %dma_start3A_44 = arith.constant 0 : i32
        %dma_start3A_45 = arith.constant 0 : i32
        %dma_start3A_46 = tpu.memref_slice %arg3[%dma_start3A_44, %dma_start3A_45] : memref<1000000x128xf32, #tpu.memory_space<hbm>> -> memref<1000000x128xf32, #tpu.memory_space<hbm>>
        tpu.enqueue_indirect_dma source(%dma_start3A_46 : memref<1000000x128xf32, #tpu.memory_space<hbm>>) target(%arg8 : memref<128x128xf32, #tpu.memory_space<vmem>>) offsets(%arg6 : memref<128xi32, #tpu.memory_space<vmem>>) semaphore(%arg10 : memref<!tpu.dma_semaphore, #tpu.memory_space<semaphore_mem>>)
      } else {
      }
      %dma_wait3A = arith.constant 0 : i32
      %dma_wait3A_19 = arith.constant 0 : i32
      %dma_wait3A_20 = tpu.memref_slice %arg3[%dma_wait3A, %dma_wait3A_19] : memref<1000000x128xf32, #tpu.memory_space<hbm>> -> memref<1000000x128xf32, #tpu.memory_space<hbm>>
      tpu.wait_indirect_dma semaphore(%arg9 : memref<!tpu.dma_semaphore, #tpu.memory_space<semaphore_mem>>) src(%dma_wait3A_20 : memref<1000000x128xf32, #tpu.memory_space<hbm>>) dst(%arg7 : memref<128x128xf32, #tpu.memory_space<vmem>>)
      %mul3A_21 = arith.constant 128 : i32
      %mul3A_22 = arith.muli %mul3A_14, %mul3A_21 : i32
      %add3A_23 = arith.addi %mul3A_2, %mul3A_22 : i32
      "tpu.region"() ({
        %run_scoped3A = tpu.sem_alloc : memref<!tpu.dma_semaphore, #tpu.memory_space<semaphore_mem>>
        %dma_start3A_39 = arith.constant 0 : i32
        %dma_start3A_40 = tpu.memref_slice %arg4[%add3A_23, %dma_start3A_39] : memref<16384x128xf32, #tpu.memory_space<hbm>> -> memref<128x128xf32, #tpu.memory_space<hbm>>
        %dma_start3A_41 = arith.constant 0 : i32
        %dma_start3A_42 = tpu.memref_slice %arg4[%add3A_23, %dma_start3A_41] : memref<16384x128xf32, #tpu.memory_space<hbm>> -> memref<128x128xf32, #tpu.memory_space<hbm>>
        tpu.enqueue_dma source(%arg7 : memref<128x128xf32, #tpu.memory_space<vmem>>) target(%dma_start3A_42 : memref<128x128xf32, #tpu.memory_space<hbm>>) target_semaphore(%run_scoped3A : memref<!tpu.dma_semaphore, #tpu.memory_space<semaphore_mem>>)
        %dma_wait3A_43 = arith.constant 0 : i32
        %dma_wait3A_44 = tpu.memref_slice %arg4[%add3A_23, %dma_wait3A_43] : memref<16384x128xf32, #tpu.memory_space<hbm>> -> memref<128x128xf32, #tpu.memory_space<hbm>>
        %dma_wait3A_45 = arith.constant 0 : i32
        %dma_wait3A_46 = tpu.memref_slice %arg4[%add3A_23, %dma_wait3A_45] : memref<16384x128xf32, #tpu.memory_space<hbm>> -> memref<128x128xf32, #tpu.memory_space<hbm>>
        tpu.wait_dma2 semaphore(%run_scoped3A : memref<!tpu.dma_semaphore, #tpu.memory_space<semaphore_mem>>) src(%arg7 : memref<128x128xf32, #tpu.memory_space<vmem>>) dst(%dma_wait3A_46 : memref<128x128xf32, #tpu.memory_space<hbm>>)
        tpu.yield
      }) : () -> ()
      %add3A_24 = arith.constant 2 : i32
      %add3A_25 = arith.addi %mul3A_14, %add3A_24 : i32
      %lt3A_26 = arith.constant 4 : i32
      %lt3A_27 = arith.cmpi slt, %add3A_25, %lt3A_26 : i32
      %convert_element_type3A_28 = arith.extui %lt3A_27 : i1 to i32
      %cond3A_29 = arith.constant 0 : i32
      %cond3A_30 = arith.cmpi ne, %convert_element_type3A_28, %cond3A_29 : i32
      scf.if %cond3A_30 {
        %add3A_39 = arith.constant 2 : i32
        %add3A_40 = arith.addi %mul3A_14, %add3A_39 : i32
        %mul3A_41 = arith.constant 128 : i32
        %mul3A_42 = arith.muli %add3A_40, %mul3A_41 : i32
        %add3A_43 = arith.addi %mul3A_2, %mul3A_42 : i32
        "tpu.region"() ({
          %run_scoped3A = tpu.sem_alloc : memref<!tpu.dma_semaphore, #tpu.memory_space<semaphore_mem>>
          %dma_start3A_47 = tpu.memref_slice %arg2[%add3A_43] : memref<16384xi32, #tpu.memory_space<hbm>> -> memref<128xi32, #tpu.memory_space<hbm>>
          %dma_start3A_48 = tpu.memref_slice %arg2[%add3A_43] : memref<16384xi32, #tpu.memory_space<hbm>> -> memref<128xi32, #tpu.memory_space<hbm>>
          tpu.enqueue_dma source(%dma_start3A_48 : memref<128xi32, #tpu.memory_space<hbm>>) target(%arg5 : memref<128xi32, #tpu.memory_space<vmem>>) target_semaphore(%run_scoped3A : memref<!tpu.dma_semaphore, #tpu.memory_space<semaphore_mem>>)
          %dma_wait3A_49 = tpu.memref_slice %arg2[%add3A_43] : memref<16384xi32, #tpu.memory_space<hbm>> -> memref<128xi32, #tpu.memory_space<hbm>>
          %dma_wait3A_50 = tpu.memref_slice %arg2[%add3A_43] : memref<16384xi32, #tpu.memory_space<hbm>> -> memref<128xi32, #tpu.memory_space<hbm>>
          tpu.wait_dma2 semaphore(%run_scoped3A : memref<!tpu.dma_semaphore, #tpu.memory_space<semaphore_mem>>) src(%dma_wait3A_50 : memref<128xi32, #tpu.memory_space<hbm>>) dst(%arg5 : memref<128xi32, #tpu.memory_space<vmem>>)
          tpu.yield
        }) : () -> ()
        %dma_start3A_44 = arith.constant 0 : i32
        %dma_start3A_45 = arith.constant 0 : i32
        %dma_start3A_46 = tpu.memref_slice %arg3[%dma_start3A_44, %dma_start3A_45] : memref<1000000x128xf32, #tpu.memory_space<hbm>> -> memref<1000000x128xf32, #tpu.memory_space<hbm>>
        tpu.enqueue_indirect_dma source(%dma_start3A_46 : memref<1000000x128xf32, #tpu.memory_space<hbm>>) target(%arg7 : memref<128x128xf32, #tpu.memory_space<vmem>>) offsets(%arg5 : memref<128xi32, #tpu.memory_space<vmem>>) semaphore(%arg9 : memref<!tpu.dma_semaphore, #tpu.memory_space<semaphore_mem>>)
      } else {
      }
      %add3A_31 = arith.constant 1 : i32
      %add3A_32 = arith.addi %mul3A_14, %add3A_31 : i32
      %dma_wait3A_33 = arith.constant 0 : i32
      %dma_wait3A_34 = arith.constant 0 : i32
      %dma_wait3A_35 = tpu.memref_slice %arg3[%dma_wait3A_33, %dma_wait3A_34] : memref<1000000x128xf32, #tpu.memory_space<hbm>> -> memref<1000000x128xf32, #tpu.memory_space<hbm>>
      tpu.wait_indirect_dma semaphore(%arg10 : memref<!tpu.dma_semaphore, #tpu.memory_space<semaphore_mem>>) src(%dma_wait3A_35 : memref<1000000x128xf32, #tpu.memory_space<hbm>>) dst(%arg8 : memref<128x128xf32, #tpu.memory_space<vmem>>)
      %mul3A_36 = arith.constant 128 : i32
      %mul3A_37 = arith.muli %add3A_32, %mul3A_36 : i32
      %add3A_38 = arith.addi %mul3A_2, %mul3A_37 : i32
      "tpu.region"() ({
        %run_scoped3A = tpu.sem_alloc : memref<!tpu.dma_semaphore, #tpu.memory_space<semaphore_mem>>
        %dma_start3A_39 = arith.constant 0 : i32
        %dma_start3A_40 = tpu.memref_slice %arg4[%add3A_38, %dma_start3A_39] : memref<16384x128xf32, #tpu.memory_space<hbm>> -> memref<128x128xf32, #tpu.memory_space<hbm>>
        %dma_start3A_41 = arith.constant 0 : i32
        %dma_start3A_42 = tpu.memref_slice %arg4[%add3A_38, %dma_start3A_41] : memref<16384x128xf32, #tpu.memory_space<hbm>> -> memref<128x128xf32, #tpu.memory_space<hbm>>
        tpu.enqueue_dma source(%arg8 : memref<128x128xf32, #tpu.memory_space<vmem>>) target(%dma_start3A_42 : memref<128x128xf32, #tpu.memory_space<hbm>>) target_semaphore(%run_scoped3A : memref<!tpu.dma_semaphore, #tpu.memory_space<semaphore_mem>>)
        %dma_wait3A_43 = arith.constant 0 : i32
        %dma_wait3A_44 = tpu.memref_slice %arg4[%add3A_38, %dma_wait3A_43] : memref<16384x128xf32, #tpu.memory_space<hbm>> -> memref<128x128xf32, #tpu.memory_space<hbm>>
        %dma_wait3A_45 = arith.constant 0 : i32
        %dma_wait3A_46 = tpu.memref_slice %arg4[%add3A_38, %dma_wait3A_45] : memref<16384x128xf32, #tpu.memory_space<hbm>> -> memref<128x128xf32, #tpu.memory_space<hbm>>
        tpu.wait_dma2 semaphore(%run_scoped3A : memref<!tpu.dma_semaphore, #tpu.memory_space<semaphore_mem>>) src(%arg8 : memref<128x128xf32, #tpu.memory_space<vmem>>) dst(%dma_wait3A_46 : memref<128x128xf32, #tpu.memory_space<hbm>>)
        tpu.yield
      }) : () -> ()
    }
    %scan3A_11 = arith.constant 2 : i32
    return
  }
}

#map = affine_map<(d0, d1) -> (0)>
#map1 = affine_map<(d0, d1) -> (0, 0)>
module attributes {stable_mosaic.version = 14 : i64} {
  func.func @k(%arg0: i32, %arg1: i32, %arg2: memref<16384xi32, #tpu.memory_space<hbm>>, %arg3: memref<100000x128xf32, #tpu.memory_space<hbm>>, %arg4: memref<16384x128xf32, #tpu.memory_space<hbm>>, %arg5: memref<128xi32, #tpu.memory_space<vmem>>, %arg6: memref<128xi32, #tpu.memory_space<vmem>>, %arg7: memref<128x128xf32, #tpu.memory_space<vmem>>, %arg8: memref<128x128xf32, #tpu.memory_space<vmem>>, %arg9: memref<!tpu.dma_semaphore, #tpu.memory_space<semaphore_mem>>, %arg10: memref<!tpu.dma_semaphore, #tpu.memory_space<semaphore_mem>>) attributes {dimension_semantics = [#tpu.dimension_semantics<core_parallel>, #tpu.dimension_semantics<subcore_parallel>], iteration_bounds = array<i64: 2, 16>, scalar_prefetch = 0 : i64, scratch_operands = 6 : i64, tpu.core_type = #tpu.core_type<sc_vector_subcore>, window_params = [{transform_indices = #map}, {transform_indices = #map1}, {transform_indices = #map1}]} {
    %mul3A = arith.constant 2 : i32
    %mul3A_0 = arith.muli %arg1, %mul3A : i32
    %add3A = arith.addi %mul3A_0, %arg0 : i32
    %mul3A_1 = arith.constant 512 : i32
    %mul3A_2 = arith.muli %add3A, %mul3A_1 : i32
    %add3A_3 = arith.constant 0 : i32
    %add3A_4 = arith.addi %mul3A_2, %add3A_3 : i32
    "tpu.region"() ({
      %run_scoped3A = tpu.sem_alloc : memref<!tpu.dma_semaphore, #tpu.memory_space<semaphore_mem>>
      %dma_start3A_12 = tpu.memref_slice %arg2[%add3A_4] : memref<16384xi32, #tpu.memory_space<hbm>> -> memref<128xi32, #tpu.memory_space<hbm>>
      %dma_start3A_13 = tpu.memref_slice %arg2[%add3A_4] : memref<16384xi32, #tpu.memory_space<hbm>> -> memref<128xi32, #tpu.memory_space<hbm>>
      tpu.enqueue_dma source(%dma_start3A_13 : memref<128xi32, #tpu.memory_space<hbm>>) target(%arg5 : memref<128xi32, #tpu.memory_space<vmem>>) target_semaphore(%run_scoped3A : memref<!tpu.dma_semaphore, #tpu.memory_space<semaphore_mem>>)
      %dma_wait3A = tpu.memref_slice %arg2[%add3A_4] : memref<16384xi32, #tpu.memory_space<hbm>> -> memref<128xi32, #tpu.memory_space<hbm>>
      %dma_wait3A_14 = tpu.memref_slice %arg2[%add3A_4] : memref<16384xi32, #tpu.memory_space<hbm>> -> memref<128xi32, #tpu.memory_space<hbm>>
      tpu.wait_dma2 semaphore(%run_scoped3A : memref<!tpu.dma_semaphore, #tpu.memory_space<semaphore_mem>>) src(%dma_wait3A_14 : memref<128xi32, #tpu.memory_space<hbm>>) dst(%arg5 : memref<128xi32, #tpu.memory_space<vmem>>)
      tpu.yield
    }) : () -> ()
    %dma_start3A = arith.constant 0 : i32
    %dma_start3A_5 = arith.constant 0 : i32
    %dma_start3A_6 = tpu.memref_slice %arg3[%dma_start3A, %dma_start3A_5] : memref<100000x128xf32, #tpu.memory_space<hbm>> -> memref<100000x128xf32, #tpu.memory_space<hbm>>
    tpu.enqueue_indirect_dma source(%dma_start3A_6 : memref<100000x128xf32, #tpu.memory_space<hbm>>) target(%arg7 : memref<128x128xf32, #tpu.memory_space<vmem>>) offsets(%arg5 : memref<128xi32, #tpu.memory_space<vmem>>) semaphore(%arg9 : memref<!tpu.dma_semaphore, #tpu.memory_space<semaphore_mem>>)
    %scan3A = arith.constant 0 : i32
    %scan3A_7 = arith.constant 0 : i32
    %scan3A_8 = arith.constant 2 : i32
    %scan3A_9 = arith.addi %scan3A_7, %scan3A_8 : i32
    %scan3A_10 = arith.constant 1 : i32
    scf.for %scan3A_12 = %scan3A_7 to %scan3A_9 step %scan3A_10  : i32 {
      %mul3A_13 = arith.constant 2 : i32
      %mul3A_14 = arith.muli %scan3A_12, %mul3A_13 : i32
      %add3A_15 = arith.constant 1 : i32
      %add3A_16 = arith.addi %mul3A_14, %add3A_15 : i32
      %lt3A = arith.constant 4 : i32
      %lt3A_17 = arith.cmpi slt, %add3A_16, %lt3A : i32
      %convert_element_type3A = arith.extui %lt3A_17 : i1 to i32
      %cond3A = arith.constant 0 : i32
      %cond3A_18 = arith.cmpi ne, %convert_element_type3A, %cond3A : i32
      scf.if %cond3A_18 {
        %add3A_39 = arith.constant 1 : i32
        %add3A_40 = arith.addi %mul3A_14, %add3A_39 : i32
        %mul3A_41 = arith.constant 128 : i32
        %mul3A_42 = arith.muli %add3A_40, %mul3A_41 : i32
        %add3A_43 = arith.addi %mul3A_2, %mul3A_42 : i32
        "tpu.region"() ({
          %run_scoped3A = tpu.sem_alloc : memref<!tpu.dma_semaphore, #tpu.memory_space<semaphore_mem>>
          %dma_start3A_47 = tpu.memref_slice %arg2[%add3A_43] : memref<16384xi32, #tpu.memory_space<hbm>> -> memref<128xi32, #tpu.memory_space<hbm>>
          %dma_start3A_48 = tpu.memref_slice %arg2[%add3A_43] : memref<16384xi32, #tpu.memory_space<hbm>> -> memref<128xi32, #tpu.memory_space<hbm>>
          tpu.enqueue_dma source(%dma_start3A_48 : memref<128xi32, #tpu.memory_space<hbm>>) target(%arg6 : memref<128xi32, #tpu.memory_space<vmem>>) target_semaphore(%run_scoped3A : memref<!tpu.dma_semaphore, #tpu.memory_space<semaphore_mem>>)
          %dma_wait3A_49 = tpu.memref_slice %arg2[%add3A_43] : memref<16384xi32, #tpu.memory_space<hbm>> -> memref<128xi32, #tpu.memory_space<hbm>>
          %dma_wait3A_50 = tpu.memref_slice %arg2[%add3A_43] : memref<16384xi32, #tpu.memory_space<hbm>> -> memref<128xi32, #tpu.memory_space<hbm>>
          tpu.wait_dma2 semaphore(%run_scoped3A : memref<!tpu.dma_semaphore, #tpu.memory_space<semaphore_mem>>) src(%dma_wait3A_50 : memref<128xi32, #tpu.memory_space<hbm>>) dst(%arg6 : memref<128xi32, #tpu.memory_space<vmem>>)
          tpu.yield
        }) : () -> ()
        %dma_start3A_44 = arith.constant 0 : i32
        %dma_start3A_45 = arith.constant 0 : i32
        %dma_start3A_46 = tpu.memref_slice %arg3[%dma_start3A_44, %dma_start3A_45] : memref<100000x128xf32, #tpu.memory_space<hbm>> -> memref<100000x128xf32, #tpu.memory_space<hbm>>
        tpu.enqueue_indirect_dma source(%dma_start3A_46 : memref<100000x128xf32, #tpu.memory_space<hbm>>) target(%arg8 : memref<128x128xf32, #tpu.memory_space<vmem>>) offsets(%arg6 : memref<128xi32, #tpu.memory_space<vmem>>) semaphore(%arg10 : memref<!tpu.dma_semaphore, #tpu.memory_space<semaphore_mem>>)
      } else {
      }
      %dma_wait3A = arith.constant 0 : i32
      %dma_wait3A_19 = arith.constant 0 : i32
      %dma_wait3A_20 = tpu.memref_slice %arg3[%dma_wait3A, %dma_wait3A_19] : memref<100000x128xf32, #tpu.memory_space<hbm>> -> memref<100000x128xf32, #tpu.memory_space<hbm>>
      tpu.wait_indirect_dma semaphore(%arg9 : memref<!tpu.dma_semaphore, #tpu.memory_space<semaphore_mem>>) src(%dma_wait3A_20 : memref<100000x128xf32, #tpu.memory_space<hbm>>) dst(%arg7 : memref<128x128xf32, #tpu.memory_space<vmem>>)
      %mul3A_21 = arith.constant 128 : i32
      %mul3A_22 = arith.muli %mul3A_14, %mul3A_21 : i32
      %add3A_23 = arith.addi %mul3A_2, %mul3A_22 : i32
      "tpu.region"() ({
        %run_scoped3A = tpu.sem_alloc : memref<!tpu.dma_semaphore, #tpu.memory_space<semaphore_mem>>
        %dma_start3A_39 = arith.constant 0 : i32
        %dma_start3A_40 = tpu.memref_slice %arg4[%add3A_23, %dma_start3A_39] : memref<16384x128xf32, #tpu.memory_space<hbm>> -> memref<128x128xf32, #tpu.memory_space<hbm>>
        %dma_start3A_41 = arith.constant 0 : i32
        %dma_start3A_42 = tpu.memref_slice %arg4[%add3A_23, %dma_start3A_41] : memref<16384x128xf32, #tpu.memory_space<hbm>> -> memref<128x128xf32, #tpu.memory_space<hbm>>
        tpu.enqueue_dma source(%arg7 : memref<128x128xf32, #tpu.memory_space<vmem>>) target(%dma_start3A_42 : memref<128x128xf32, #tpu.memory_space<hbm>>) target_semaphore(%run_scoped3A : memref<!tpu.dma_semaphore, #tpu.memory_space<semaphore_mem>>)
        %dma_wait3A_43 = arith.constant 0 : i32
        %dma_wait3A_44 = tpu.memref_slice %arg4[%add3A_23, %dma_wait3A_43] : memref<16384x128xf32, #tpu.memory_space<hbm>> -> memref<128x128xf32, #tpu.memory_space<hbm>>
        %dma_wait3A_45 = arith.constant 0 : i32
        %dma_wait3A_46 = tpu.memref_slice %arg4[%add3A_23, %dma_wait3A_45] : memref<16384x128xf32, #tpu.memory_space<hbm>> -> memref<128x128xf32, #tpu.memory_space<hbm>>
        tpu.wait_dma2 semaphore(%run_scoped3A : memref<!tpu.dma_semaphore, #tpu.memory_space<semaphore_mem>>) src(%arg7 : memref<128x128xf32, #tpu.memory_space<vmem>>) dst(%dma_wait3A_46 : memref<128x128xf32, #tpu.memory_space<hbm>>)
        tpu.yield
      }) : () -> ()
      %add3A_24 = arith.constant 2 : i32
      %add3A_25 = arith.addi %mul3A_14, %add3A_24 : i32
      %lt3A_26 = arith.constant 4 : i32
      %lt3A_27 = arith.cmpi slt, %add3A_25, %lt3A_26 : i32
      %convert_element_type3A_28 = arith.extui %lt3A_27 : i1 to i32
      %cond3A_29 = arith.constant 0 : i32
      %cond3A_30 = arith.cmpi ne, %convert_element_type3A_28, %cond3A_29 : i32
      scf.if %cond3A_30 {
        %add3A_39 = arith.constant 2 : i32
        %add3A_40 = arith.addi %mul3A_14, %add3A_39 : i32
        %mul3A_41 = arith.constant 128 : i32
        %mul3A_42 = arith.muli %add3A_40, %mul3A_41 : i32
        %add3A_43 = arith.addi %mul3A_2, %mul3A_42 : i32
        "tpu.region"() ({
          %run_scoped3A = tpu.sem_alloc : memref<!tpu.dma_semaphore, #tpu.memory_space<semaphore_mem>>
          %dma_start3A_47 = tpu.memref_slice %arg2[%add3A_43] : memref<16384xi32, #tpu.memory_space<hbm>> -> memref<128xi32, #tpu.memory_space<hbm>>
          %dma_start3A_48 = tpu.memref_slice %arg2[%add3A_43] : memref<16384xi32, #tpu.memory_space<hbm>> -> memref<128xi32, #tpu.memory_space<hbm>>
          tpu.enqueue_dma source(%dma_start3A_48 : memref<128xi32, #tpu.memory_space<hbm>>) target(%arg5 : memref<128xi32, #tpu.memory_space<vmem>>) target_semaphore(%run_scoped3A : memref<!tpu.dma_semaphore, #tpu.memory_space<semaphore_mem>>)
          %dma_wait3A_49 = tpu.memref_slice %arg2[%add3A_43] : memref<16384xi32, #tpu.memory_space<hbm>> -> memref<128xi32, #tpu.memory_space<hbm>>
          %dma_wait3A_50 = tpu.memref_slice %arg2[%add3A_43] : memref<16384xi32, #tpu.memory_space<hbm>> -> memref<128xi32, #tpu.memory_space<hbm>>
          tpu.wait_dma2 semaphore(%run_scoped3A : memref<!tpu.dma_semaphore, #tpu.memory_space<semaphore_mem>>) src(%dma_wait3A_50 : memref<128xi32, #tpu.memory_space<hbm>>) dst(%arg5 : memref<128xi32, #tpu.memory_space<vmem>>)
          tpu.yield
        }) : () -> ()
        %dma_start3A_44 = arith.constant 0 : i32
        %dma_start3A_45 = arith.constant 0 : i32
        %dma_start3A_46 = tpu.memref_slice %arg3[%dma_start3A_44, %dma_start3A_45] : memref<100000x128xf32, #tpu.memory_space<hbm>> -> memref<100000x128xf32, #tpu.memory_space<hbm>>
        tpu.enqueue_indirect_dma source(%dma_start3A_46 : memref<100000x128xf32, #tpu.memory_space<hbm>>) target(%arg7 : memref<128x128xf32, #tpu.memory_space<vmem>>) offsets(%arg5 : memref<128xi32, #tpu.memory_space<vmem>>) semaphore(%arg9 : memref<!tpu.dma_semaphore, #tpu.memory_space<semaphore_mem>>)
      } else {
      }
      %add3A_31 = arith.constant 1 : i32
      %add3A_32 = arith.addi %mul3A_14, %add3A_31 : i32
      %dma_wait3A_33 = arith.constant 0 : i32
      %dma_wait3A_34 = arith.constant 0 : i32
      %dma_wait3A_35 = tpu.memref_slice %arg3[%dma_wait3A_33, %dma_wait3A_34] : memref<100000x128xf32, #tpu.memory_space<hbm>> -> memref<100000x128xf32, #tpu.memory_space<hbm>>
      tpu.wait_indirect_dma semaphore(%arg10 : memref<!tpu.dma_semaphore, #tpu.memory_space<semaphore_mem>>) src(%dma_wait3A_35 : memref<100000x128xf32, #tpu.memory_space<hbm>>) dst(%arg8 : memref<128x128xf32, #tpu.memory_space<vmem>>)
      %mul3A_36 = arith.constant 128 : i32
      %mul3A_37 = arith.muli %add3A_32, %mul3A_36 : i32
      %add3A_38 = arith.addi %mul3A_2, %mul3A_37 : i32
      "tpu.region"() ({
        %run_scoped3A = tpu.sem_alloc : memref<!tpu.dma_semaphore, #tpu.memory_space<semaphore_mem>>
        %dma_start3A_39 = arith.constant 0 : i32
        %dma_start3A_40 = tpu.memref_slice %arg4[%add3A_38, %dma_start3A_39] : memref<16384x128xf32, #tpu.memory_space<hbm>> -> memref<128x128xf32, #tpu.memory_space<hbm>>
        %dma_start3A_41 = arith.constant 0 : i32
        %dma_start3A_42 = tpu.memref_slice %arg4[%add3A_38, %dma_start3A_41] : memref<16384x128xf32, #tpu.memory_space<hbm>> -> memref<128x128xf32, #tpu.memory_space<hbm>>
        tpu.enqueue_dma source(%arg8 : memref<128x128xf32, #tpu.memory_space<vmem>>) target(%dma_start3A_42 : memref<128x128xf32, #tpu.memory_space<hbm>>) target_semaphore(%run_scoped3A : memref<!tpu.dma_semaphore, #tpu.memory_space<semaphore_mem>>)
        %dma_wait3A_43 = arith.constant 0 : i32
        %dma_wait3A_44 = tpu.memref_slice %arg4[%add3A_38, %dma_wait3A_43] : memref<16384x128xf32, #tpu.memory_space<hbm>> -> memref<128x128xf32, #tpu.memory_space<hbm>>
        %dma_wait3A_45 = arith.constant 0 : i32
        %dma_wait3A_46 = tpu.memref_slice %arg4[%add3A_38, %dma_wait3A_45] : memref<16384x128xf32, #tpu.memory_space<hbm>> -> memref<128x128xf32, #tpu.memory_space<hbm>>
        tpu.wait_dma2 semaphore(%run_scoped3A : memref<!tpu.dma_semaphore, #tpu.memory_space<semaphore_mem>>) src(%arg8 : memref<128x128xf32, #tpu.memory_space<vmem>>) dst(%dma_wait3A_46 : memref<128x128xf32, #tpu.memory_space<hbm>>)
        tpu.yield
      }) : () -> ()
    }
    %scan3A_11 = arith.constant 2 : i32
    return
  }
}

#map = affine_map<(d0, d1) -> (0)>
#map1 = affine_map<(d0, d1) -> (0, 0)>
module attributes {stable_mosaic.version = 14 : i64} {
  func.func @k(%arg0: i32, %arg1: i32, %arg2: memref<16384xi32, #tpu.memory_space<hbm>>, %arg3: memref<1000000x128xf32, #tpu.memory_space<hbm>>, %arg4: memref<16384x128xf32, #tpu.memory_space<hbm>>, %arg5: memref<128xi32, #tpu.memory_space<vmem>>, %arg6: memref<128xi32, #tpu.memory_space<vmem>>, %arg7: memref<128x128xf32, #tpu.memory_space<vmem>>, %arg8: memref<128x128xf32, #tpu.memory_space<vmem>>, %arg9: memref<!tpu.dma_semaphore, #tpu.memory_space<semaphore_mem>>, %arg10: memref<!tpu.dma_semaphore, #tpu.memory_space<semaphore_mem>>) attributes {dimension_semantics = [#tpu.dimension_semantics<core_parallel>, #tpu.dimension_semantics<subcore_parallel>], iteration_bounds = array<i64: 2, 16>, scalar_prefetch = 0 : i64, scratch_operands = 6 : i64, tpu.core_type = #tpu.core_type<sc_vector_subcore>, window_params = [{transform_indices = #map}, {transform_indices = #map1}, {transform_indices = #map1}]} {
    %mul3A = arith.constant 2 : i32
    %mul3A_0 = arith.muli %arg1, %mul3A : i32
    %add3A = arith.addi %mul3A_0, %arg0 : i32
    %mul3A_1 = arith.constant 512 : i32
    %mul3A_2 = arith.muli %add3A, %mul3A_1 : i32
    %add3A_3 = arith.constant 0 : i32
    %add3A_4 = arith.addi %mul3A_2, %add3A_3 : i32
    "tpu.region"() ({
      %run_scoped3A = tpu.sem_alloc : memref<!tpu.dma_semaphore, #tpu.memory_space<semaphore_mem>>
      %dma_start3A_12 = tpu.memref_slice %arg2[%add3A_4] : memref<16384xi32, #tpu.memory_space<hbm>> -> memref<128xi32, #tpu.memory_space<hbm>>
      %dma_start3A_13 = tpu.memref_slice %arg2[%add3A_4] : memref<16384xi32, #tpu.memory_space<hbm>> -> memref<128xi32, #tpu.memory_space<hbm>>
      tpu.enqueue_dma source(%dma_start3A_13 : memref<128xi32, #tpu.memory_space<hbm>>) target(%arg5 : memref<128xi32, #tpu.memory_space<vmem>>) target_semaphore(%run_scoped3A : memref<!tpu.dma_semaphore, #tpu.memory_space<semaphore_mem>>)
      %dma_wait3A = tpu.memref_slice %arg2[%add3A_4] : memref<16384xi32, #tpu.memory_space<hbm>> -> memref<128xi32, #tpu.memory_space<hbm>>
      %dma_wait3A_14 = tpu.memref_slice %arg2[%add3A_4] : memref<16384xi32, #tpu.memory_space<hbm>> -> memref<128xi32, #tpu.memory_space<hbm>>
      tpu.wait_dma2 semaphore(%run_scoped3A : memref<!tpu.dma_semaphore, #tpu.memory_space<semaphore_mem>>) src(%dma_wait3A_14 : memref<128xi32, #tpu.memory_space<hbm>>) dst(%arg5 : memref<128xi32, #tpu.memory_space<vmem>>)
      tpu.yield
    }) : () -> ()
    %dma_start3A = arith.constant 0 : i32
    %dma_start3A_5 = arith.constant 0 : i32
    %dma_start3A_6 = tpu.memref_slice %arg3[%dma_start3A, %dma_start3A_5] : memref<1000000x128xf32, #tpu.memory_space<hbm>> -> memref<1000000x128xf32, #tpu.memory_space<hbm>>
    tpu.enqueue_indirect_dma source(%dma_start3A_6 : memref<1000000x128xf32, #tpu.memory_space<hbm>>) target(%arg7 : memref<128x128xf32, #tpu.memory_space<vmem>>) offsets(%arg5 : memref<128xi32, #tpu.memory_space<vmem>>) semaphore(%arg9 : memref<!tpu.dma_semaphore, #tpu.memory_space<semaphore_mem>>)
    %scan3A = arith.constant 0 : i32
    %scan3A_7 = arith.constant 0 : i32
    %scan3A_8 = arith.constant 2 : i32
    %scan3A_9 = arith.addi %scan3A_7, %scan3A_8 : i32
    %scan3A_10 = arith.constant 1 : i32
    scf.for %scan3A_12 = %scan3A_7 to %scan3A_9 step %scan3A_10  : i32 {
      %mul3A_13 = arith.constant 2 : i32
      %mul3A_14 = arith.muli %scan3A_12, %mul3A_13 : i32
      %add3A_15 = arith.constant 1 : i32
      %add3A_16 = arith.addi %mul3A_14, %add3A_15 : i32
      %lt3A = arith.constant 4 : i32
      %lt3A_17 = arith.cmpi slt, %add3A_16, %lt3A : i32
      %convert_element_type3A = arith.extui %lt3A_17 : i1 to i32
      %cond3A = arith.constant 0 : i32
      %cond3A_18 = arith.cmpi ne, %convert_element_type3A, %cond3A : i32
      scf.if %cond3A_18 {
        %add3A_39 = arith.constant 1 : i32
        %add3A_40 = arith.addi %mul3A_14, %add3A_39 : i32
        %mul3A_41 = arith.constant 128 : i32
        %mul3A_42 = arith.muli %add3A_40, %mul3A_41 : i32
        %add3A_43 = arith.addi %mul3A_2, %mul3A_42 : i32
        "tpu.region"() ({
          %run_scoped3A = tpu.sem_alloc : memref<!tpu.dma_semaphore, #tpu.memory_space<semaphore_mem>>
          %dma_start3A_47 = tpu.memref_slice %arg2[%add3A_43] : memref<16384xi32, #tpu.memory_space<hbm>> -> memref<128xi32, #tpu.memory_space<hbm>>
          %dma_start3A_48 = tpu.memref_slice %arg2[%add3A_43] : memref<16384xi32, #tpu.memory_space<hbm>> -> memref<128xi32, #tpu.memory_space<hbm>>
          tpu.enqueue_dma source(%dma_start3A_48 : memref<128xi32, #tpu.memory_space<hbm>>) target(%arg6 : memref<128xi32, #tpu.memory_space<vmem>>) target_semaphore(%run_scoped3A : memref<!tpu.dma_semaphore, #tpu.memory_space<semaphore_mem>>)
          %dma_wait3A_49 = tpu.memref_slice %arg2[%add3A_43] : memref<16384xi32, #tpu.memory_space<hbm>> -> memref<128xi32, #tpu.memory_space<hbm>>
          %dma_wait3A_50 = tpu.memref_slice %arg2[%add3A_43] : memref<16384xi32, #tpu.memory_space<hbm>> -> memref<128xi32, #tpu.memory_space<hbm>>
          tpu.wait_dma2 semaphore(%run_scoped3A : memref<!tpu.dma_semaphore, #tpu.memory_space<semaphore_mem>>) src(%dma_wait3A_50 : memref<128xi32, #tpu.memory_space<hbm>>) dst(%arg6 : memref<128xi32, #tpu.memory_space<vmem>>)
          tpu.yield
        }) : () -> ()
        %dma_start3A_44 = arith.constant 0 : i32
        %dma_start3A_45 = arith.constant 0 : i32
        %dma_start3A_46 = tpu.memref_slice %arg3[%dma_start3A_44, %dma_start3A_45] : memref<1000000x128xf32, #tpu.memory_space<hbm>> -> memref<1000000x128xf32, #tpu.memory_space<hbm>>
        tpu.enqueue_indirect_dma source(%dma_start3A_46 : memref<1000000x128xf32, #tpu.memory_space<hbm>>) target(%arg8 : memref<128x128xf32, #tpu.memory_space<vmem>>) offsets(%arg6 : memref<128xi32, #tpu.memory_space<vmem>>) semaphore(%arg10 : memref<!tpu.dma_semaphore, #tpu.memory_space<semaphore_mem>>)
      } else {
      }
      %dma_wait3A = arith.constant 0 : i32
      %dma_wait3A_19 = arith.constant 0 : i32
      %dma_wait3A_20 = tpu.memref_slice %arg3[%dma_wait3A, %dma_wait3A_19] : memref<1000000x128xf32, #tpu.memory_space<hbm>> -> memref<1000000x128xf32, #tpu.memory_space<hbm>>
      tpu.wait_indirect_dma semaphore(%arg9 : memref<!tpu.dma_semaphore, #tpu.memory_space<semaphore_mem>>) src(%dma_wait3A_20 : memref<1000000x128xf32, #tpu.memory_space<hbm>>) dst(%arg7 : memref<128x128xf32, #tpu.memory_space<vmem>>)
      %mul3A_21 = arith.constant 128 : i32
      %mul3A_22 = arith.muli %mul3A_14, %mul3A_21 : i32
      %add3A_23 = arith.addi %mul3A_2, %mul3A_22 : i32
      "tpu.region"() ({
        %run_scoped3A = tpu.sem_alloc : memref<!tpu.dma_semaphore, #tpu.memory_space<semaphore_mem>>
        %dma_start3A_39 = arith.constant 0 : i32
        %dma_start3A_40 = tpu.memref_slice %arg4[%add3A_23, %dma_start3A_39] : memref<16384x128xf32, #tpu.memory_space<hbm>> -> memref<128x128xf32, #tpu.memory_space<hbm>>
        %dma_start3A_41 = arith.constant 0 : i32
        %dma_start3A_42 = tpu.memref_slice %arg4[%add3A_23, %dma_start3A_41] : memref<16384x128xf32, #tpu.memory_space<hbm>> -> memref<128x128xf32, #tpu.memory_space<hbm>>
        tpu.enqueue_dma source(%arg7 : memref<128x128xf32, #tpu.memory_space<vmem>>) target(%dma_start3A_42 : memref<128x128xf32, #tpu.memory_space<hbm>>) target_semaphore(%run_scoped3A : memref<!tpu.dma_semaphore, #tpu.memory_space<semaphore_mem>>)
        %dma_wait3A_43 = arith.constant 0 : i32
        %dma_wait3A_44 = tpu.memref_slice %arg4[%add3A_23, %dma_wait3A_43] : memref<16384x128xf32, #tpu.memory_space<hbm>> -> memref<128x128xf32, #tpu.memory_space<hbm>>
        %dma_wait3A_45 = arith.constant 0 : i32
        %dma_wait3A_46 = tpu.memref_slice %arg4[%add3A_23, %dma_wait3A_45] : memref<16384x128xf32, #tpu.memory_space<hbm>> -> memref<128x128xf32, #tpu.memory_space<hbm>>
        tpu.wait_dma2 semaphore(%run_scoped3A : memref<!tpu.dma_semaphore, #tpu.memory_space<semaphore_mem>>) src(%arg7 : memref<128x128xf32, #tpu.memory_space<vmem>>) dst(%dma_wait3A_46 : memref<128x128xf32, #tpu.memory_space<hbm>>)
        tpu.yield
      }) : () -> ()
      %add3A_24 = arith.constant 2 : i32
      %add3A_25 = arith.addi %mul3A_14, %add3A_24 : i32
      %lt3A_26 = arith.constant 4 : i32
      %lt3A_27 = arith.cmpi slt, %add3A_25, %lt3A_26 : i32
      %convert_element_type3A_28 = arith.extui %lt3A_27 : i1 to i32
      %cond3A_29 = arith.constant 0 : i32
      %cond3A_30 = arith.cmpi ne, %convert_element_type3A_28, %cond3A_29 : i32
      scf.if %cond3A_30 {
        %add3A_39 = arith.constant 2 : i32
        %add3A_40 = arith.addi %mul3A_14, %add3A_39 : i32
        %mul3A_41 = arith.constant 128 : i32
        %mul3A_42 = arith.muli %add3A_40, %mul3A_41 : i32
        %add3A_43 = arith.addi %mul3A_2, %mul3A_42 : i32
        "tpu.region"() ({
          %run_scoped3A = tpu.sem_alloc : memref<!tpu.dma_semaphore, #tpu.memory_space<semaphore_mem>>
          %dma_start3A_47 = tpu.memref_slice %arg2[%add3A_43] : memref<16384xi32, #tpu.memory_space<hbm>> -> memref<128xi32, #tpu.memory_space<hbm>>
          %dma_start3A_48 = tpu.memref_slice %arg2[%add3A_43] : memref<16384xi32, #tpu.memory_space<hbm>> -> memref<128xi32, #tpu.memory_space<hbm>>
          tpu.enqueue_dma source(%dma_start3A_48 : memref<128xi32, #tpu.memory_space<hbm>>) target(%arg5 : memref<128xi32, #tpu.memory_space<vmem>>) target_semaphore(%run_scoped3A : memref<!tpu.dma_semaphore, #tpu.memory_space<semaphore_mem>>)
          %dma_wait3A_49 = tpu.memref_slice %arg2[%add3A_43] : memref<16384xi32, #tpu.memory_space<hbm>> -> memref<128xi32, #tpu.memory_space<hbm>>
          %dma_wait3A_50 = tpu.memref_slice %arg2[%add3A_43] : memref<16384xi32, #tpu.memory_space<hbm>> -> memref<128xi32, #tpu.memory_space<hbm>>
          tpu.wait_dma2 semaphore(%run_scoped3A : memref<!tpu.dma_semaphore, #tpu.memory_space<semaphore_mem>>) src(%dma_wait3A_50 : memref<128xi32, #tpu.memory_space<hbm>>) dst(%arg5 : memref<128xi32, #tpu.memory_space<vmem>>)
          tpu.yield
        }) : () -> ()
        %dma_start3A_44 = arith.constant 0 : i32
        %dma_start3A_45 = arith.constant 0 : i32
        %dma_start3A_46 = tpu.memref_slice %arg3[%dma_start3A_44, %dma_start3A_45] : memref<1000000x128xf32, #tpu.memory_space<hbm>> -> memref<1000000x128xf32, #tpu.memory_space<hbm>>
        tpu.enqueue_indirect_dma source(%dma_start3A_46 : memref<1000000x128xf32, #tpu.memory_space<hbm>>) target(%arg7 : memref<128x128xf32, #tpu.memory_space<vmem>>) offsets(%arg5 : memref<128xi32, #tpu.memory_space<vmem>>) semaphore(%arg9 : memref<!tpu.dma_semaphore, #tpu.memory_space<semaphore_mem>>)
      } else {
      }
      %add3A_31 = arith.constant 1 : i32
      %add3A_32 = arith.addi %mul3A_14, %add3A_31 : i32
      %dma_wait3A_33 = arith.constant 0 : i32
      %dma_wait3A_34 = arith.constant 0 : i32
      %dma_wait3A_35 = tpu.memref_slice %arg3[%dma_wait3A_33, %dma_wait3A_34] : memref<1000000x128xf32, #tpu.memory_space<hbm>> -> memref<1000000x128xf32, #tpu.memory_space<hbm>>
      tpu.wait_indirect_dma semaphore(%arg10 : memref<!tpu.dma_semaphore, #tpu.memory_space<semaphore_mem>>) src(%dma_wait3A_35 : memref<1000000x128xf32, #tpu.memory_space<hbm>>) dst(%arg8 : memref<128x128xf32, #tpu.memory_space<vmem>>)
      %mul3A_36 = arith.constant 128 : i32
      %mul3A_37 = arith.muli %add3A_32, %mul3A_36 : i32
      %add3A_38 = arith.addi %mul3A_2, %mul3A_37 : i32
      "tpu.region"() ({
        %run_scoped3A = tpu.sem_alloc : memref<!tpu.dma_semaphore, #tpu.memory_space<semaphore_mem>>
        %dma_start3A_39 = arith.constant 0 : i32
        %dma_start3A_40 = tpu.memref_slice %arg4[%add3A_38, %dma_start3A_39] : memref<16384x128xf32, #tpu.memory_space<hbm>> -> memref<128x128xf32, #tpu.memory_space<hbm>>
        %dma_start3A_41 = arith.constant 0 : i32
        %dma_start3A_42 = tpu.memref_slice %arg4[%add3A_38, %dma_start3A_41] : memref<16384x128xf32, #tpu.memory_space<hbm>> -> memref<128x128xf32, #tpu.memory_space<hbm>>
        tpu.enqueue_dma source(%arg8 : memref<128x128xf32, #tpu.memory_space<vmem>>) target(%dma_start3A_42 : memref<128x128xf32, #tpu.memory_space<hbm>>) target_semaphore(%run_scoped3A : memref<!tpu.dma_semaphore, #tpu.memory_space<semaphore_mem>>)
        %dma_wait3A_43 = arith.constant 0 : i32
        %dma_wait3A_44 = tpu.memref_slice %arg4[%add3A_38, %dma_wait3A_43] : memref<16384x128xf32, #tpu.memory_space<hbm>> -> memref<128x128xf32, #tpu.memory_space<hbm>>
        %dma_wait3A_45 = arith.constant 0 : i32
        %dma_wait3A_46 = tpu.memref_slice %arg4[%add3A_38, %dma_wait3A_45] : memref<16384x128xf32, #tpu.memory_space<hbm>> -> memref<128x128xf32, #tpu.memory_space<hbm>>
        tpu.wait_dma2 semaphore(%run_scoped3A : memref<!tpu.dma_semaphore, #tpu.memory_space<semaphore_mem>>) src(%arg8 : memref<128x128xf32, #tpu.memory_space<vmem>>) dst(%dma_wait3A_46 : memref<128x128xf32, #tpu.memory_space<hbm>>)
        tpu.yield
      }) : () -> ()
    }
    %scan3A_11 = arith.constant 2 : i32
    return
  }
}

#map = affine_map<(d0, d1) -> (0)>
#map1 = affine_map<(d0, d1) -> (0, 0)>
module attributes {stable_mosaic.version = 14 : i64} {
  func.func @k(%arg0: i32, %arg1: i32, %arg2: memref<16384xi32, #tpu.memory_space<hbm>>, %arg3: memref<100000x128xf32, #tpu.memory_space<hbm>>, %arg4: memref<16384x128xf32, #tpu.memory_space<hbm>>, %arg5: memref<128xi32, #tpu.memory_space<vmem>>, %arg6: memref<128xi32, #tpu.memory_space<vmem>>, %arg7: memref<128x128xf32, #tpu.memory_space<vmem>>, %arg8: memref<128x128xf32, #tpu.memory_space<vmem>>, %arg9: memref<!tpu.dma_semaphore, #tpu.memory_space<semaphore_mem>>, %arg10: memref<!tpu.dma_semaphore, #tpu.memory_space<semaphore_mem>>) attributes {dimension_semantics = [#tpu.dimension_semantics<core_parallel>, #tpu.dimension_semantics<subcore_parallel>], iteration_bounds = array<i64: 2, 16>, scalar_prefetch = 0 : i64, scratch_operands = 6 : i64, tpu.core_type = #tpu.core_type<sc_vector_subcore>, window_params = [{transform_indices = #map}, {transform_indices = #map1}, {transform_indices = #map1}]} {
    %mul3A = arith.constant 2 : i32
    %mul3A_0 = arith.muli %arg1, %mul3A : i32
    %add3A = arith.addi %mul3A_0, %arg0 : i32
    %mul3A_1 = arith.constant 512 : i32
    %mul3A_2 = arith.muli %add3A, %mul3A_1 : i32
    %add3A_3 = arith.constant 0 : i32
    %add3A_4 = arith.addi %mul3A_2, %add3A_3 : i32
    "tpu.region"() ({
      %run_scoped3A = tpu.sem_alloc : memref<!tpu.dma_semaphore, #tpu.memory_space<semaphore_mem>>
      %dma_start3A_12 = tpu.memref_slice %arg2[%add3A_4] : memref<16384xi32, #tpu.memory_space<hbm>> -> memref<128xi32, #tpu.memory_space<hbm>>
      %dma_start3A_13 = tpu.memref_slice %arg2[%add3A_4] : memref<16384xi32, #tpu.memory_space<hbm>> -> memref<128xi32, #tpu.memory_space<hbm>>
      tpu.enqueue_dma source(%dma_start3A_13 : memref<128xi32, #tpu.memory_space<hbm>>) target(%arg5 : memref<128xi32, #tpu.memory_space<vmem>>) target_semaphore(%run_scoped3A : memref<!tpu.dma_semaphore, #tpu.memory_space<semaphore_mem>>)
      %dma_wait3A = tpu.memref_slice %arg2[%add3A_4] : memref<16384xi32, #tpu.memory_space<hbm>> -> memref<128xi32, #tpu.memory_space<hbm>>
      %dma_wait3A_14 = tpu.memref_slice %arg2[%add3A_4] : memref<16384xi32, #tpu.memory_space<hbm>> -> memref<128xi32, #tpu.memory_space<hbm>>
      tpu.wait_dma2 semaphore(%run_scoped3A : memref<!tpu.dma_semaphore, #tpu.memory_space<semaphore_mem>>) src(%dma_wait3A_14 : memref<128xi32, #tpu.memory_space<hbm>>) dst(%arg5 : memref<128xi32, #tpu.memory_space<vmem>>)
      tpu.yield
    }) : () -> ()
    %dma_start3A = arith.constant 0 : i32
    %dma_start3A_5 = arith.constant 0 : i32
    %dma_start3A_6 = tpu.memref_slice %arg3[%dma_start3A, %dma_start3A_5] : memref<100000x128xf32, #tpu.memory_space<hbm>> -> memref<100000x128xf32, #tpu.memory_space<hbm>>
    tpu.enqueue_indirect_dma source(%dma_start3A_6 : memref<100000x128xf32, #tpu.memory_space<hbm>>) target(%arg7 : memref<128x128xf32, #tpu.memory_space<vmem>>) offsets(%arg5 : memref<128xi32, #tpu.memory_space<vmem>>) semaphore(%arg9 : memref<!tpu.dma_semaphore, #tpu.memory_space<semaphore_mem>>)
    %scan3A = arith.constant 0 : i32
    %scan3A_7 = arith.constant 0 : i32
    %scan3A_8 = arith.constant 2 : i32
    %scan3A_9 = arith.addi %scan3A_7, %scan3A_8 : i32
    %scan3A_10 = arith.constant 1 : i32
    scf.for %scan3A_12 = %scan3A_7 to %scan3A_9 step %scan3A_10  : i32 {
      %mul3A_13 = arith.constant 2 : i32
      %mul3A_14 = arith.muli %scan3A_12, %mul3A_13 : i32
      %add3A_15 = arith.constant 1 : i32
      %add3A_16 = arith.addi %mul3A_14, %add3A_15 : i32
      %lt3A = arith.constant 4 : i32
      %lt3A_17 = arith.cmpi slt, %add3A_16, %lt3A : i32
      %convert_element_type3A = arith.extui %lt3A_17 : i1 to i32
      %cond3A = arith.constant 0 : i32
      %cond3A_18 = arith.cmpi ne, %convert_element_type3A, %cond3A : i32
      scf.if %cond3A_18 {
        %add3A_39 = arith.constant 1 : i32
        %add3A_40 = arith.addi %mul3A_14, %add3A_39 : i32
        %mul3A_41 = arith.constant 128 : i32
        %mul3A_42 = arith.muli %add3A_40, %mul3A_41 : i32
        %add3A_43 = arith.addi %mul3A_2, %mul3A_42 : i32
        "tpu.region"() ({
          %run_scoped3A = tpu.sem_alloc : memref<!tpu.dma_semaphore, #tpu.memory_space<semaphore_mem>>
          %dma_start3A_47 = tpu.memref_slice %arg2[%add3A_43] : memref<16384xi32, #tpu.memory_space<hbm>> -> memref<128xi32, #tpu.memory_space<hbm>>
          %dma_start3A_48 = tpu.memref_slice %arg2[%add3A_43] : memref<16384xi32, #tpu.memory_space<hbm>> -> memref<128xi32, #tpu.memory_space<hbm>>
          tpu.enqueue_dma source(%dma_start3A_48 : memref<128xi32, #tpu.memory_space<hbm>>) target(%arg6 : memref<128xi32, #tpu.memory_space<vmem>>) target_semaphore(%run_scoped3A : memref<!tpu.dma_semaphore, #tpu.memory_space<semaphore_mem>>)
          %dma_wait3A_49 = tpu.memref_slice %arg2[%add3A_43] : memref<16384xi32, #tpu.memory_space<hbm>> -> memref<128xi32, #tpu.memory_space<hbm>>
          %dma_wait3A_50 = tpu.memref_slice %arg2[%add3A_43] : memref<16384xi32, #tpu.memory_space<hbm>> -> memref<128xi32, #tpu.memory_space<hbm>>
          tpu.wait_dma2 semaphore(%run_scoped3A : memref<!tpu.dma_semaphore, #tpu.memory_space<semaphore_mem>>) src(%dma_wait3A_50 : memref<128xi32, #tpu.memory_space<hbm>>) dst(%arg6 : memref<128xi32, #tpu.memory_space<vmem>>)
          tpu.yield
        }) : () -> ()
        %dma_start3A_44 = arith.constant 0 : i32
        %dma_start3A_45 = arith.constant 0 : i32
        %dma_start3A_46 = tpu.memref_slice %arg3[%dma_start3A_44, %dma_start3A_45] : memref<100000x128xf32, #tpu.memory_space<hbm>> -> memref<100000x128xf32, #tpu.memory_space<hbm>>
        tpu.enqueue_indirect_dma source(%dma_start3A_46 : memref<100000x128xf32, #tpu.memory_space<hbm>>) target(%arg8 : memref<128x128xf32, #tpu.memory_space<vmem>>) offsets(%arg6 : memref<128xi32, #tpu.memory_space<vmem>>) semaphore(%arg10 : memref<!tpu.dma_semaphore, #tpu.memory_space<semaphore_mem>>)
      } else {
      }
      %dma_wait3A = arith.constant 0 : i32
      %dma_wait3A_19 = arith.constant 0 : i32
      %dma_wait3A_20 = tpu.memref_slice %arg3[%dma_wait3A, %dma_wait3A_19] : memref<100000x128xf32, #tpu.memory_space<hbm>> -> memref<100000x128xf32, #tpu.memory_space<hbm>>
      tpu.wait_indirect_dma semaphore(%arg9 : memref<!tpu.dma_semaphore, #tpu.memory_space<semaphore_mem>>) src(%dma_wait3A_20 : memref<100000x128xf32, #tpu.memory_space<hbm>>) dst(%arg7 : memref<128x128xf32, #tpu.memory_space<vmem>>)
      %mul3A_21 = arith.constant 128 : i32
      %mul3A_22 = arith.muli %mul3A_14, %mul3A_21 : i32
      %add3A_23 = arith.addi %mul3A_2, %mul3A_22 : i32
      "tpu.region"() ({
        %run_scoped3A = tpu.sem_alloc : memref<!tpu.dma_semaphore, #tpu.memory_space<semaphore_mem>>
        %dma_start3A_39 = arith.constant 0 : i32
        %dma_start3A_40 = tpu.memref_slice %arg4[%add3A_23, %dma_start3A_39] : memref<16384x128xf32, #tpu.memory_space<hbm>> -> memref<128x128xf32, #tpu.memory_space<hbm>>
        %dma_start3A_41 = arith.constant 0 : i32
        %dma_start3A_42 = tpu.memref_slice %arg4[%add3A_23, %dma_start3A_41] : memref<16384x128xf32, #tpu.memory_space<hbm>> -> memref<128x128xf32, #tpu.memory_space<hbm>>
        tpu.enqueue_dma source(%arg7 : memref<128x128xf32, #tpu.memory_space<vmem>>) target(%dma_start3A_42 : memref<128x128xf32, #tpu.memory_space<hbm>>) target_semaphore(%run_scoped3A : memref<!tpu.dma_semaphore, #tpu.memory_space<semaphore_mem>>)
        %dma_wait3A_43 = arith.constant 0 : i32
        %dma_wait3A_44 = tpu.memref_slice %arg4[%add3A_23, %dma_wait3A_43] : memref<16384x128xf32, #tpu.memory_space<hbm>> -> memref<128x128xf32, #tpu.memory_space<hbm>>
        %dma_wait3A_45 = arith.constant 0 : i32
        %dma_wait3A_46 = tpu.memref_slice %arg4[%add3A_23, %dma_wait3A_45] : memref<16384x128xf32, #tpu.memory_space<hbm>> -> memref<128x128xf32, #tpu.memory_space<hbm>>
        tpu.wait_dma2 semaphore(%run_scoped3A : memref<!tpu.dma_semaphore, #tpu.memory_space<semaphore_mem>>) src(%arg7 : memref<128x128xf32, #tpu.memory_space<vmem>>) dst(%dma_wait3A_46 : memref<128x128xf32, #tpu.memory_space<hbm>>)
        tpu.yield
      }) : () -> ()
      %add3A_24 = arith.constant 2 : i32
      %add3A_25 = arith.addi %mul3A_14, %add3A_24 : i32
      %lt3A_26 = arith.constant 4 : i32
      %lt3A_27 = arith.cmpi slt, %add3A_25, %lt3A_26 : i32
      %convert_element_type3A_28 = arith.extui %lt3A_27 : i1 to i32
      %cond3A_29 = arith.constant 0 : i32
      %cond3A_30 = arith.cmpi ne, %convert_element_type3A_28, %cond3A_29 : i32
      scf.if %cond3A_30 {
        %add3A_39 = arith.constant 2 : i32
        %add3A_40 = arith.addi %mul3A_14, %add3A_39 : i32
        %mul3A_41 = arith.constant 128 : i32
        %mul3A_42 = arith.muli %add3A_40, %mul3A_41 : i32
        %add3A_43 = arith.addi %mul3A_2, %mul3A_42 : i32
        "tpu.region"() ({
          %run_scoped3A = tpu.sem_alloc : memref<!tpu.dma_semaphore, #tpu.memory_space<semaphore_mem>>
          %dma_start3A_47 = tpu.memref_slice %arg2[%add3A_43] : memref<16384xi32, #tpu.memory_space<hbm>> -> memref<128xi32, #tpu.memory_space<hbm>>
          %dma_start3A_48 = tpu.memref_slice %arg2[%add3A_43] : memref<16384xi32, #tpu.memory_space<hbm>> -> memref<128xi32, #tpu.memory_space<hbm>>
          tpu.enqueue_dma source(%dma_start3A_48 : memref<128xi32, #tpu.memory_space<hbm>>) target(%arg5 : memref<128xi32, #tpu.memory_space<vmem>>) target_semaphore(%run_scoped3A : memref<!tpu.dma_semaphore, #tpu.memory_space<semaphore_mem>>)
          %dma_wait3A_49 = tpu.memref_slice %arg2[%add3A_43] : memref<16384xi32, #tpu.memory_space<hbm>> -> memref<128xi32, #tpu.memory_space<hbm>>
          %dma_wait3A_50 = tpu.memref_slice %arg2[%add3A_43] : memref<16384xi32, #tpu.memory_space<hbm>> -> memref<128xi32, #tpu.memory_space<hbm>>
          tpu.wait_dma2 semaphore(%run_scoped3A : memref<!tpu.dma_semaphore, #tpu.memory_space<semaphore_mem>>) src(%dma_wait3A_50 : memref<128xi32, #tpu.memory_space<hbm>>) dst(%arg5 : memref<128xi32, #tpu.memory_space<vmem>>)
          tpu.yield
        }) : () -> ()
        %dma_start3A_44 = arith.constant 0 : i32
        %dma_start3A_45 = arith.constant 0 : i32
        %dma_start3A_46 = tpu.memref_slice %arg3[%dma_start3A_44, %dma_start3A_45] : memref<100000x128xf32, #tpu.memory_space<hbm>> -> memref<100000x128xf32, #tpu.memory_space<hbm>>
        tpu.enqueue_indirect_dma source(%dma_start3A_46 : memref<100000x128xf32, #tpu.memory_space<hbm>>) target(%arg7 : memref<128x128xf32, #tpu.memory_space<vmem>>) offsets(%arg5 : memref<128xi32, #tpu.memory_space<vmem>>) semaphore(%arg9 : memref<!tpu.dma_semaphore, #tpu.memory_space<semaphore_mem>>)
      } else {
      }
      %add3A_31 = arith.constant 1 : i32
      %add3A_32 = arith.addi %mul3A_14, %add3A_31 : i32
      %dma_wait3A_33 = arith.constant 0 : i32
      %dma_wait3A_34 = arith.constant 0 : i32
      %dma_wait3A_35 = tpu.memref_slice %arg3[%dma_wait3A_33, %dma_wait3A_34] : memref<100000x128xf32, #tpu.memory_space<hbm>> -> memref<100000x128xf32, #tpu.memory_space<hbm>>
      tpu.wait_indirect_dma semaphore(%arg10 : memref<!tpu.dma_semaphore, #tpu.memory_space<semaphore_mem>>) src(%dma_wait3A_35 : memref<100000x128xf32, #tpu.memory_space<hbm>>) dst(%arg8 : memref<128x128xf32, #tpu.memory_space<vmem>>)
      %mul3A_36 = arith.constant 128 : i32
      %mul3A_37 = arith.muli %add3A_32, %mul3A_36 : i32
      %add3A_38 = arith.addi %mul3A_2, %mul3A_37 : i32
      "tpu.region"() ({
        %run_scoped3A = tpu.sem_alloc : memref<!tpu.dma_semaphore, #tpu.memory_space<semaphore_mem>>
        %dma_start3A_39 = arith.constant 0 : i32
        %dma_start3A_40 = tpu.memref_slice %arg4[%add3A_38, %dma_start3A_39] : memref<16384x128xf32, #tpu.memory_space<hbm>> -> memref<128x128xf32, #tpu.memory_space<hbm>>
        %dma_start3A_41 = arith.constant 0 : i32
        %dma_start3A_42 = tpu.memref_slice %arg4[%add3A_38, %dma_start3A_41] : memref<16384x128xf32, #tpu.memory_space<hbm>> -> memref<128x128xf32, #tpu.memory_space<hbm>>
        tpu.enqueue_dma source(%arg8 : memref<128x128xf32, #tpu.memory_space<vmem>>) target(%dma_start3A_42 : memref<128x128xf32, #tpu.memory_space<hbm>>) target_semaphore(%run_scoped3A : memref<!tpu.dma_semaphore, #tpu.memory_space<semaphore_mem>>)
        %dma_wait3A_43 = arith.constant 0 : i32
        %dma_wait3A_44 = tpu.memref_slice %arg4[%add3A_38, %dma_wait3A_43] : memref<16384x128xf32, #tpu.memory_space<hbm>> -> memref<128x128xf32, #tpu.memory_space<hbm>>
        %dma_wait3A_45 = arith.constant 0 : i32
        %dma_wait3A_46 = tpu.memref_slice %arg4[%add3A_38, %dma_wait3A_45] : memref<16384x128xf32, #tpu.memory_space<hbm>> -> memref<128x128xf32, #tpu.memory_space<hbm>>
        tpu.wait_dma2 semaphore(%run_scoped3A : memref<!tpu.dma_semaphore, #tpu.memory_space<semaphore_mem>>) src(%arg8 : memref<128x128xf32, #tpu.memory_space<vmem>>) dst(%dma_wait3A_46 : memref<128x128xf32, #tpu.memory_space<hbm>>)
        tpu.yield
      }) : () -> ()
    }
    %scan3A_11 = arith.constant 2 : i32
    return
  }
}

module attributes {stable_mosaic.version = 14 : i64} {
  func.func @body(%arg0: i32, %arg1: memref<2048x128xf32, #tpu.memory_space<vmem>>, %arg2: memref<2048x128xf32, #tpu.memory_space<vmem>>, %arg3: memref<2048x128xf32, #tpu.memory_space<vmem>>, %arg4: memref<2048x128xf32, #tpu.memory_space<vmem>>, %arg5: memref<64x64xf32, #tpu.memory_space<vmem>>, %arg6: memref<64x64xf32, #tpu.memory_space<vmem>>, %arg7: memref<1x64xf32, #tpu.memory_space<vmem>>, %arg8: memref<1x64xf32, #tpu.memory_space<vmem>>, %arg9: memref<1x64xf32, #tpu.memory_space<vmem>>, %arg10: memref<1x1xf32, #tpu.memory_space<vmem>>, %arg11: memref<2048x1xf32, #tpu.memory_space<vmem>>) attributes {dimension_semantics = [#tpu.dimension_semantics<arbitrary>], iteration_bounds = array<i64: 8>, scalar_prefetch = 0 : i64, scratch_operands = 0 : i64, tpu.core_type = #tpu.core_type<tc>, window_params = [{transform_indices = @transform_0, window_bounds = array<i64: 2048, 128>}, {transform_indices = @transform_1, window_bounds = array<i64: 2048, 128>}, {transform_indices = @transform_2, window_bounds = array<i64: 2048, 128>}, {transform_indices = @transform_3, window_bounds = array<i64: 2048, 128>}, {pipeline_mode = #tpu.pipeline_mode<synchronous>, transform_indices = @transform_4, window_bounds = array<i64: 64, 64>}, {pipeline_mode = #tpu.pipeline_mode<synchronous>, transform_indices = @transform_5, window_bounds = array<i64: 64, 64>}, {pipeline_mode = #tpu.pipeline_mode<synchronous>, transform_indices = @transform_6, window_bounds = array<i64: 1, 64>}, {pipeline_mode = #tpu.pipeline_mode<synchronous>, transform_indices = @transform_7, window_bounds = array<i64: 1, 64>}, {pipeline_mode = #tpu.pipeline_mode<synchronous>, transform_indices = @transform_8, window_bounds = array<i64: 1, 64>}, {pipeline_mode = #tpu.pipeline_mode<synchronous>, transform_indices = @transform_9, window_bounds = array<i64: 1, 1>}, {transform_indices = @transform_10, window_bounds = array<i64: 2048, 1>}]} {
    %get3A = arith.constant 0 : index
    %get3A_0 = arith.constant 0 : index
    %get3A_1 = vector.load %arg1[%get3A, %get3A_0] : memref<2048x128xf32, #tpu.memory_space<vmem>>, vector<2048x64xf32>
    %get3A_2 = arith.constant 0 : index
    %get3A_3 = arith.constant 0 : index
    %get3A_4 = vector.load %arg3[%get3A_2, %get3A_3] : memref<2048x128xf32, #tpu.memory_space<vmem>>, vector<2048x64xf32>
    %get3A_5 = arith.constant 0 : index
    %get3A_6 = arith.constant 0 : index
    %get3A_7 = vector.load %arg2[%get3A_5, %get3A_6] : memref<2048x128xf32, #tpu.memory_space<vmem>>, vector<2048x64xf32>
    %get3A_8 = arith.constant 0 : index
    %get3A_9 = arith.constant 0 : index
    %get3A_10 = vector.load %arg4[%get3A_8, %get3A_9] : memref<2048x128xf32, #tpu.memory_space<vmem>>, vector<2048x64xf32>
    %get3A_11 = arith.constant 0 : index
    %get3A_12 = arith.constant 0 : index
    %get3A_13 = vector.load %arg5[%get3A_11, %get3A_12] : memref<64x64xf32, #tpu.memory_space<vmem>>, vector<64x64xf32>
    %dot_general3A = arith.constant dense<0.000000e+00> : vector<2048x64xf32>
    %dot_general3A_14 = tpu.matmul %get3A_4, %get3A_13, %dot_general3A {dimension_numbers = #tpu.dot_dimension_numbers<[1], [0], [0], [1], [0, 0, 1, 1], [], []>, transpose_lhs_hint = false} : vector<2048x64xf32>, vector<64x64xf32>, vector<2048x64xf32> -> vector<2048x64xf32>
    %get3A_15 = arith.constant 0 : index
    %get3A_16 = arith.constant 0 : index
    %get3A_17 = vector.load %arg6[%get3A_15, %get3A_16] : memref<64x64xf32, #tpu.memory_space<vmem>>, vector<64x64xf32>
    %dot_general3A_18 = arith.constant dense<0.000000e+00> : vector<2048x64xf32>
    %dot_general3A_19 = tpu.matmul %get3A_10, %get3A_17, %dot_general3A_18 {dimension_numbers = #tpu.dot_dimension_numbers<[1], [0], [0], [1], [0, 0, 1, 1], [], []>, transpose_lhs_hint = false} : vector<2048x64xf32>, vector<64x64xf32>, vector<2048x64xf32> -> vector<2048x64xf32>
    %add3A = arith.addf %dot_general3A_14, %dot_general3A_19 : vector<2048x64xf32>
    %get3A_20 = arith.constant 0 : index
    %get3A_21 = arith.constant 0 : index
    %get3A_22 = vector.load %arg7[%get3A_20, %get3A_21] : memref<1x64xf32, #tpu.memory_space<vmem>>, vector<1x64xf32>
    %add3A_23 = vector.broadcast %get3A_22 : vector<1x64xf32> to vector<2048x64xf32>
    %add3A_24 = arith.addf %add3A, %add3A_23 : vector<2048x64xf32>
    %max3A = arith.constant 0.000000e+00 : f32
    %max3A_25 = vector.broadcast %max3A : f32 to vector<2048x64xf32>
    %max3A_26 = arith.maximumf %add3A_24, %max3A_25 : vector<2048x64xf32>
    %mul3A = arith.mulf %get3A_1, %get3A_7 : vector<2048x64xf32>
    %get3A_27 = arith.constant 0 : index
    %get3A_28 = arith.constant 0 : index
    %get3A_29 = vector.load %arg8[%get3A_27, %get3A_28] : memref<1x64xf32, #tpu.memory_space<vmem>>, vector<1x64xf32>
    %mul3A_30 = vector.broadcast %get3A_29 : vector<1x64xf32> to vector<2048x64xf32>
    %mul3A_31 = arith.mulf %mul3A, %mul3A_30 : vector<2048x64xf32>
    %reduce_sum3A = arith.constant dense<0.000000e+00> : vector<2048xf32>
    %reduce_sum3A_32 = vector.multi_reduction <add>, %mul3A_31, %reduce_sum3A [1] : vector<2048x64xf32> to vector<2048xf32>
    %broadcast_in_dim3A = vector.shape_cast %reduce_sum3A_32 : vector<2048xf32> to vector<2048x1xf32>
    %get3A_33 = arith.constant 0 : index
    %get3A_34 = arith.constant 0 : index
    %get3A_35 = vector.load %arg9[%get3A_33, %get3A_34] : memref<1x64xf32, #tpu.memory_space<vmem>>, vector<1x64xf32>
    %mul3A_36 = vector.broadcast %get3A_35 : vector<1x64xf32> to vector<2048x64xf32>
    %mul3A_37 = arith.mulf %max3A_26, %mul3A_36 : vector<2048x64xf32>
    %reduce_sum3A_38 = arith.constant dense<0.000000e+00> : vector<2048xf32>
    %reduce_sum3A_39 = vector.multi_reduction <add>, %mul3A_37, %reduce_sum3A_38 [1] : vector<2048x64xf32> to vector<2048xf32>
    %broadcast_in_dim3A_40 = vector.shape_cast %reduce_sum3A_39 : vector<2048xf32> to vector<2048x1xf32>
    %add3A_41 = arith.addf %broadcast_in_dim3A, %broadcast_in_dim3A_40 : vector<2048x1xf32>
    %get3A_42 = arith.constant 0 : index
    %get3A_43 = arith.constant 0 : index
    %get3A_44 = vector.load %arg10[%get3A_42, %get3A_43] : memref<1x1xf32, #tpu.memory_space<vmem>>, vector<1x1xf32>
    %add3A_45 = vector.broadcast %get3A_44 : vector<1x1xf32> to vector<2048x1xf32>
    %add3A_46 = arith.addf %add3A_41, %add3A_45 : vector<2048x1xf32>
    %neg3A = arith.constant 0.000000e+00 : f32
    %neg3A_47 = vector.broadcast %neg3A : f32 to vector<2048x1xf32>
    %neg3A_48 = arith.subf %neg3A_47, %add3A_46 : vector<2048x1xf32>
    %exp3A = math.exp %neg3A_48 : vector<2048x1xf32>
    %add3A_49 = arith.constant 1.000000e+00 : f32
    %add3A_50 = vector.broadcast %add3A_49 : f32 to vector<2048x1xf32>
    %add3A_51 = arith.addf %add3A_50, %exp3A : vector<2048x1xf32>
    %div3A = arith.constant 1.000000e+00 : f32
    %div3A_52 = vector.broadcast %div3A : f32 to vector<2048x1xf32>
    %div3A_53 = arith.divf %div3A_52, %add3A_51 : vector<2048x1xf32>
    %swap3A = arith.constant 0 : index
    %swap3A_54 = arith.constant 0 : index
    %swap3A_55 = vector.load %arg11[%swap3A, %swap3A_54] : memref<2048x1xf32, #tpu.memory_space<vmem>>, vector<2048x1xf32>
    tpu.vector_store %arg11[%swap3A, %swap3A_54], %div3A_53 {strides = array<i32>} : memref<2048x1xf32, #tpu.memory_space<vmem>>, vector<2048x1xf32>,
    return
  }
  func.func @transform_0(%arg0: i32) -> (i32, i32) {
    %c0_i32 = arith.constant 0 : i32
    %c0_i32_0 = arith.constant 0 : i32
    return %arg0, %c0_i32 : i32, i32
  }
  func.func @transform_1(%arg0: i32) -> (i32, i32) {
    %c0_i32 = arith.constant 0 : i32
    %c0_i32_0 = arith.constant 0 : i32
    return %arg0, %c0_i32 : i32, i32
  }
  func.func @transform_2(%arg0: i32) -> (i32, i32) {
    %c0_i32 = arith.constant 0 : i32
    %c0_i32_0 = arith.constant 0 : i32
    return %arg0, %c0_i32 : i32, i32
  }
  func.func @transform_3(%arg0: i32) -> (i32, i32) {
    %c0_i32 = arith.constant 0 : i32
    %c0_i32_0 = arith.constant 0 : i32
    return %arg0, %c0_i32 : i32, i32
  }
  func.func @transform_4(%arg0: i32) -> (i32, i32) {
    %c0_i32 = arith.constant 0 : i32
    %c0_i32_0 = arith.constant 0 : i32
    %c0_i32_1 = arith.constant 0 : i32
    return %c0_i32, %c0_i32_0 : i32, i32
  }
  func.func @transform_5(%arg0: i32) -> (i32, i32) {
    %c0_i32 = arith.constant 0 : i32
    %c0_i32_0 = arith.constant 0 : i32
    %c0_i32_1 = arith.constant 0 : i32
    return %c0_i32, %c0_i32_0 : i32, i32
  }
  func.func @transform_6(%arg0: i32) -> (i32, i32) {
    %c0_i32 = arith.constant 0 : i32
    %c0_i32_0 = arith.constant 0 : i32
    %c0_i32_1 = arith.constant 0 : i32
    return %c0_i32, %c0_i32_0 : i32, i32
  }
  func.func @transform_7(%arg0: i32) -> (i32, i32) {
    %c0_i32 = arith.constant 0 : i32
    %c0_i32_0 = arith.constant 0 : i32
    %c0_i32_1 = arith.constant 0 : i32
    return %c0_i32, %c0_i32_0 : i32, i32
  }
  func.func @transform_8(%arg0: i32) -> (i32, i32) {
    %c0_i32 = arith.constant 0 : i32
    %c0_i32_0 = arith.constant 0 : i32
    %c0_i32_1 = arith.constant 0 : i32
    return %c0_i32, %c0_i32_0 : i32, i32
  }
  func.func @transform_9(%arg0: i32) -> (i32, i32) {
    %c0_i32 = arith.constant 0 : i32
    %c0_i32_0 = arith.constant 0 : i32
    %c0_i32_1 = arith.constant 0 : i32
    return %c0_i32, %c0_i32_0 : i32, i32
  }
  func.func @transform_10(%arg0: i32) -> (i32, i32) {
    %c0_i32 = arith.constant 0 : i32
    %c0_i32_0 = arith.constant 0 : i32
    return %arg0, %c0_i32 : i32, i32
  }
}

</mosaic_0001>

<sc_bundles>
// kernel: kernel.10.cloned.1.call-start
scs
__scs_entry_jumppad:
0x0: {  	(pc) =	sbr.rel $0x88, $3  }
0x1: {  	(tag) =	ssettag $0x0;
	lr =	simm.s32 $0x1  }
0x2: {  	[smem:$0x3F97] =	sst lr;
	_ =	strace $0xD0000000  }
0x3: {  	_ = 	snop  }
0x4: {  	_ = 	snop  }
0x5: {  	_ = 	snop  }
0x6: {  	_ = 	snop  }
0x7: {  	_ = 	snop  }
__scs_overlays_trampoline_lowered:
0x8: {  	[smem:$0x3FA6] =	sst s0  }
0x9: {  	[smem:$0x3FA7] =	sst s1  }
0xa: {  	[smem:$0x3FA8] =	sst s2  }
0xb: {  	[smem:$0x3FA9] =	sst s3  }
0xc: {  	[smem:$0x3FAA] =	sst s4  }
0xd: {  	[smem:$0x3FAB] =	sst s5  }
0xe: {  	[smem:$0x3FAC] =	sst s6  }
0xf: {  	[smem:$0x3FAD] =	sst s7  }
0x10: {  	[smem:$0x3FAE] =	sst s8  }
0x11: {  	[smem:$0x3FAF] =	sst s9;
	s0 =	simm.s32 @!p0 $0x0  }
0x12: {  	s1 =	sld [smem:$0x3F95];
	s0 =	simm.s32 @p0 $0x1  }
0x13: {  	[smem:$0x3FB0] =	sst s0;
	s0 =	simm.s32 @!p1 $0x0  }
0x14: {  	s2 =	sld [smem:$0x3F94];
	s0 =	simm.s32 @p1 $0x1  }
0x15: {  	[smem:$0x3FB1] =	sst s0;
	s0 =	simm.s32 @!p2 $0x0  }
0x16: {  	s3 =	sld [smem:$0x3FDB];
	s0 =	simm.s32 @p2 $0x1  }
0x17: {  	s4 =	simm.s32 $0x1BF5;
	[smem:$0x3FB3] =	sst s0  }
0x18: {  	s0 =	sld [smem:$0x3F96];
	_ =	swait.ge [sflag:s4], $0x0  }
0x19: {  	s7 =	sld [smem:$0x3F97]  }
0x1a: {  	s8 =	sadd.s32 $0xFFFFE003, lr  }
0x1b: {  	s9 =	sadd.s32 $0xFFFFFEF7, lr;
	s5 =	simm.s32 $0xFFFFFFFF;
	p2 =	slt.u32 s8, $0xFFFFF086  }
0x1c: {  	p1 =	slt.u32 s9, $0xF7A;
	s5 =	simm.s32 @!p2 $0x0  }
0x1d: {  	s5 =	simm.s32 @p1 $0x1;
	p0 =	seq.s32 s7, s2  }
0x1e: {  	s7 =	smul.u32 @!p0 $0xF7A, s2;
	p2 =	seq.s32 @!p0 s5, $0x0  }
0x1f: {  	s9 =	smul.u32 $0xF7A, s1;
	s8 =	simm.s32 @!p0 $0x1BF5;
	p2 =	por !p2, p0  }
0x20: {  	[sflag:s8] =	ssyncset.s32 @!p0 $0xFFFFF086;
	s6 =	sadd.s32 @!p0 s3, s7;
	s7 =	simm.s32 @!p0 $0x108  }
0x21: {  	s3 =	sadd.s32 s3, s9;
	s6 =	sadd.s32 @!p0 $0x88, s6;
	s7 =	simm.s32 @p2 $0x1082  }
0x22: {  	[simem:s7], [sflag:s8] =	dma.local @!p0 [hbm:s6], $0xF7A  }
0x23: {  	s9 =	sor.u32 $0xD0000000, s2;
	s6 =	simm.s32 $0x108;
	_ =	swait.ge @!p0 [sflag:s8], $0x0  }
0x24: {  	s3 =	sadd.s32 $0x88, s3;
	s6 =	simm.s32 @!p1 $0x1082;
	[sflag:s4] =	ssyncset.s32 $0xFFFFF086  }
0x25: {  	[simem:s6], [sflag:s4] =	dma.local [hbm:s3], $0xF7A  }
0x26: {  	[smem:$0x3F97] =	sst s1;
	(tag) =	ssettag s2;
	_ =	strace s9  }
0x27: {  	s1 =	sld [smem:$0x3FA7]  }
0x28: {  	s2 =	sld [smem:$0x3FA8]  }
0x29: {  	s4 =	sld [smem:$0x3FAA]  }
0x2a: {  	p0 =	seq.s32 s5, $0x0;
	s5 =	sld [smem:$0x3FAB]  }
0x2b: {  	s6 =	sld [smem:$0x3FAC]  }
0x2c: {  	s7 =	sld [smem:$0x3FAD]  }
0x2d: {  	s3 =	simm.s32 $0x108;
	s8 =	sld [smem:$0x3FAE]  }
0x2e: {  	s3 =	simm.s32 @!p0 $0x1082;
	s9 =	sld [smem:$0x3FAF]  }
0x2f: {  	lr =	sadd.s32 s0, s3;
	s0 =	sld [smem:$0x3FA6]  }
0x30: {  	s3 =	sld [smem:$0x3FA9]  }
0x31: {  	[smem:$0x3FB2] =	sst s10  }
0x32: {  	s10 =	sld [smem:$0x3FB0];
	_ =	sdelay $0x3  }
0x33: {  	p0 =	seq.s32 s10, $0x1;
	s10 =	sld [smem:$0x3FB2];
	_ =	sdelay $0x3  }
0x34: {  	[smem:$0x3FB2] =	sst s10  }
0x35: {  	s10 =	sld [smem:$0x3FB1];
	_ =	sdelay $0x3  }
0x36: {  	p1 =	seq.s32 s10, $0x1;
	s10 =	sld [smem:$0x3FB2];
	_ =	sdelay $0x3  }
0x37: {  	[smem:$0x3FB2] =	sst s10  }
0x38: {  	s10 =	sld [smem:$0x3FB3]  }
0x39: {  	_ = 	snop;
	(pc) =	sbr.ind lr, $3  }
0x3a: {  	_ = 	snop  }
0x3b: {  	_ = 	snop  }
0x3c: {  	p2 =	seq.s32 s10, $0x1;
	s10 =	sld [smem:$0x3FB2]  }
0x3d: {  	_ =	shalt  }
0x3e: {  	_ =	shalt  }
0x3f: {  	_ =	shalt  }
0x40: {  	_ =	shalt  }
0x41: {  	_ =	shalt  }
0x42: {  	_ =	shalt  }
0x43: {  	_ =	shalt  }
0x44: {  	_ =	shalt  }
0x45: {  	_ =	shalt  }
0x46: {  	_ =	shalt  }
0x47: {  	_ =	shalt  }
0x48: {  	_ =	shalt  }
0x49: {  	_ =	shalt  }
0x4a: {  	_ =	shalt  }
0x4b: {  	_ =	shalt  }
0x4c: {  	_ =	shalt  }
0x4d: {  	_ =	shalt  }
0x4e: {  	_ =	shalt  }
0x4f: {  	_ =	shalt  }
0x50: {  	_ =	shalt  }
0x51: {  	_ =	shalt  }
0x52: {  	_ =	shalt  }
0x53: {  	_ =	shalt  }
0x54: {  	_ =	shalt  }
0x55: {  	_ =	shalt  }
0x56: {  	_ =	shalt  }
0x57: {  	_ =	shalt  }
0x58: {  	_ =	shalt  }
0x59: {  	_ =	shalt  }
0x5a: {  	_ =	shalt  }
0x5b: {  	_ =	shalt  }
0x5c: {  	_ =	shalt  }
0x5d: {  	_ =	shalt  }
0x5e: {  	_ =	shalt  }
0x5f: {  	_ =	shalt  }
0x60: {  	_ =	shalt  }
0x61: {  	_ =	shalt  }
0x62: {  	_ =	shalt  }
0x63: {  	_ =	shalt  }
0x64: {  	_ =	shalt  }
0x65: {  	_ =	shalt  }
0x66: {  	_ =	shalt  }
0x67: {  	_ =	shalt  }
0x68: {  	_ =	shalt  }
0x69: {  	_ =	shalt  }
0x6a: {  	_ =	shalt  }
0x6b: {  	_ =	shalt  }
0x6c: {  	_ =	shalt  }
0x6d: {  	_ =	shalt  }
0x6e: {  	_ =	shalt  }
0x6f: {  	_ =	shalt  }
0x70: {  	_ =	shalt  }
0x71: {  	_ =	shalt  }
0x72: {  	_ =	shalt  }
0x73: {  	_ =	shalt  }
0x74: {  	_ =	shalt  }
0x75: {  	_ =	shalt  }
0x76: {  	_ =	shalt  }
0x77: {  	_ =	shalt  }
0x78: {  	_ =	shalt  }
0x79: {  	_ =	shalt  }
0x7a: {  	_ =	shalt  }
0x7b: {  	_ =	shalt  }
0x7c: {  	_ =	shalt  }
0x7d: {  	_ =	shalt  }
0x7e: {  	_ =	shalt  }
0x7f: {  	_ =	shalt  }
0x80: {  	_ =	shalt  }
0x81: {  	_ =	shalt  }
0x82: {  	_ =	shalt  }
0x83: {  	_ =	shalt  }
0x84: {  	_ =	shalt  }
0x85: {  	_ =	shalt  }
0x86: {  	_ =	shalt  }
0x87: {  	_ =	shalt  }
.Lfunc_end0:
.L_simem_size_0:
called_computation.1_lowered:
.L_overlay_start_0:
0x88: {  	s2 =	sld [smem:$0x3FD9]  }
0x89: {  	s3 =	sld [smem:$0x3FFE];
	_ =	sdelay $0x1  }
0x8a: {  	s1 =	srdreg.scid  }
0x8b: {  	s0 =	sand.u32 $0x1, s1  }
0x8c: {  	s17 =	sshll.u32 s0, $0xA;
	s2 =	sadd.s32 s3, s2  }
0x8d: {  	s2 =	sadd.s32 s2, s17  }
0x8e: {  	[smem:$0x3FBE] =	sst s2  }
0x8f: {  	_ = 	snop  }
0x90: {  	s18 =	sld [smem:$0x3FC8];
	(tm) =	ssettm $0x1  }
0x91: {  	s19 =	sld [smem:$0x3FFB];
	_ =	sdelay $0x3  }
0x92: {  	_ =	strace s19  }
0x93: {  	s2 =	sld [smem:$0x3FFC];
	_ =	sdelay $0x3  }
0x94: {  	_ =	strace s2  }
0x95: {  	s2 =	sld [smem:$0x3FFD];
	_ =	sdelay $0x3  }
0x96: {  	_ =	strace s2  }
0x97: {  	_ =	strace $0x8FFFFFFF  }
0x98: {  	s20 =	sld [smem:$0x3FDB];
	_ =	sdelay $0x1  }
0x99: {  	s4 =	simm.s32 $_scs_section_size  }
0x9a: {  	s5 =	simm.s32 $_size__tile_overlayer_lowered;
	s6 =	simm.s32 $_tile_overlayer_lowered  }
0x9b: {  	s7 =	simm.s32 $0x1BFF;
	s21 =	sshll.u32 s6, $0x1;
	s4 =	sadd.s32 s4, s20  }
0x9c: {  	s22 =	simm.s32 $0x0;
	s5 =	sshll.u32 s5, $0x1;
	s6 =	sadd.s32 s21, s4  }
0x9d: {  	[timem:s22], [sflag:s7] =	dma.local [hbm:s6], s5  }
0x9e: {  	_ =	swait.ge [sflag:s7], s5  }
0x9f: {  	s5 =	ssub.s32 $0x0, s5;
	[sflag:s7] =	ssyncset.done $0x0  }
0xa0: {  	[sflag:s7] =	ssyncadd.s32 s5;
	_ =	sdelay $0x1  }
0xa1: {  	s23 =	simm.s32 $0x1B8B  }
0xa2: {  	_ =	swait.ge [sflag:s23], $0x1  }
0xa3: {  	[sflag:s23] =	ssyncset.done $0x0  }
0xa4: {  	[sflag:s23] =	ssyncadd.s32 $0xFFFFFFFF  }
0xa5: {  	s5 =	sld [smem:$0x0]  }
0xa6: {  	s6 =	sand.u32 $0xFFFFFFFE, s1  }
0xa7: {  	p0 =	sne.s32 s1, s6  }
0xa8: {  	s6 =	sshll.u32 @p0 s6, $0xE  }
0xa9: {  	s6 =	sadd.s32 @p0 $0x11B8D, s6;
	s7 =	sshll.u32 @p0 s5, $0x11  }
0xaa: {  	s6 =	sor.u32 @p0 s7, s6  }
0xab: {  	[sflag:s6] =	ssyncadd.remote.s32 @p0 $0x1;
	_ =	sdelay $0x1  }
0xac: {  	s6 =	simm.s32 @p0 $0x1B8D  }
0xad: {  	_ =	swait.eq @p0 [sflag:s6], $0x1  }
0xae: {  	[sflag:s6] =	ssyncadd.s32 @p0 $0xFFFFFFFF  }
0xaf: {  	s7 =	sshll.u32 @!p0 s1, $0xE  }
0xb0: {  	s7 =	sor.u32 @!p0 $0x4000, s7;
	s6 =	simm.s32 @!p0 $0x1B8D  }
0xb1: {  	s5 =	sshll.u32 @!p0 s5, $0x11;
	s7 =	sadd.s32 @!p0 $0x11B8D, s7;
	_ =	swait.eq @!p0 [sflag:s6], $0x1  }
0xb2: {  	s5 =	sor.u32 @!p0 s5, s7;
	[sflag:s6] =	ssyncadd.s32 @!p0 $0xFFFFFFFF  }
0xb3: {  	s25 =	simm.s32 $0x1B8E;
	s24 =	sld [smem:$0x3FFE];
	[sflag:s5] =	ssyncadd.remote.s32 @!p0 $0x1  }
0xb4: {  	s26 =	simm.s32 $execute0_lowered;
	[smem:$0x3FD2] =	sst s25  }
0xb5: {  	s6 =	sshll.u32 s26, $0x1;
	_ =	strace $0x8000004C;
	[dreg:$0x1] =	wrdreg $0xFFFFFFFF  }
0xb6: {  	s28 =	simm.s32 $_size_execute0_lowered;
	s4 =	sadd.s32 s4, s6;
	[dreg:$0x0] =	wrdreg $0x0  }
0xb7: {  	s6 =	sshll.u32 s28, $0x1;
	[dreg:$0x2] =	wrdreg s4  }
0xb8: {  	[dreg:$0x3] =	wrdreg s6  }
0xb9: {  	[dreg:$0x4] =	wrdreg $0xC0  }
0xba: {  	_ =	task [dreg:s22], $0x5FFFF  }
0xbb: {  	[dreg:$0x1] =	wrdreg $0xFFFFFFFF  }
0xbc: {  	[dreg:$0x0] =	wrdreg $0x60  }
0xbd: {  	[dreg:$0x2] =	wrdreg s18  }
0xbe: {  	[dreg:$0x3] =	wrdreg s24  }
0xbf: {  	[dreg:$0x4] =	wrdreg $0xA  }
0xc0: {  	_ =	task.clear_ibuf [dreg:s22], $0x5FFFF;
	_ =	strace $0x9000004C  }
0xc1: {  	s29 =	simm.s32 $0xA;
	_ =	strace $0x8000004E  }
0xc2: {  	_ =	swait.ge [sflag:s29], $0x1  }
0xc3: {  	[sflag:s29] =	ssyncadd.s32 $0xFFFFFFFF  }
0xc4: {  	_ =	strace $0x9000004E  }
0xc5: {  	_ =	sfence  }
0xc6: {  	s30 =	sld [smem:$0x0];
	_ =	sdelay $0x2  }
0xc7: {  	s31 =	sshll.u32 s1, $0xD;
	s1 =	sshrl.u32 s1, $0x2  }
0xc8: {  	s4 =	sand.u32 $0x4000, s31;
	s1 =	sadd.s32 s1, s30  }
0xc9: {  	s0 =	sor.u32 s4, s0;
	s1 =	sshll.u32 s1, $0x11  }
0xca: {  	s0 =	sor.u32 s1, s0  }
0xcb: {  	s0 =	sadd.s32 $0x8F2B, s0  }
0xcc: {  	[sflag:s0] =	ssyncadd.remote.s32 $0x1  }
0xcd: {  	_ =	sfence.sel $0xFFFF  }
0xce: {  	[dreg:$0x0] =	wrdreg $0xFFFFFFFF;
	(pc) =	sbr.abs _section_cstart, $3  }
0xcf: {  	[dreg:$0x1] =	wrdreg $0xFFFFFFFF  }
0xd0: {  	_ =	task.clear_ibuf [dreg:s22], $0x2FFFF;
	_ =	strace $0x9FFFFFFF  }
0xd1: {  	(tm) =	ssettm $0x7FFFFFFF  }
tec
execute0_lowered:
.L_overlay_start_1:
0x0: {  	(tag) =	ssettag $0x1  }
0x1: {  	s1 =	srdreg.scid  }
0x2: {  	s3 =	rddreg [dreg:$0x0];
	s0 =	stileid.u32;
	s17 =	sand.u32 $0x1, s1  }
0x3: {  	s11 =	rddreg [dreg:$0x1];
	s4 =	sshll.u32 s0, $0xA;
	s5 =	sshll.u32 s17, $0x9  }
0x4: {  	s2 =	simm.s32 $0x0;
	s1 =	rddreg [dreg:$0x2];
	s12 =	sor.u32 s5, s4  }
0x5: {  	[smem:$0x7FF] =	sst s2;
	s4 =	sshrl.u32 s12, $0x3  }
0x6: {  	_ =	strace $0x8000004D;
	s4 =	sadd.s32 s3, s4;
	s3 =	simm.s32 $0x3  }
0x7: {  	[tilespmem:s2], [sflag:$0x3] =	stream.linear.gather [hbm4b:s4+s2], $0x80, $0x38;
	[tilespmem:$0x8100] =	vst v63  }
0x8: {  	_ =	swait.ge [sflag:s3], $0x80  }
0x9: {  	s6 =	simm.s32 $0x80;
	[sflag:s3] =	ssyncset.done $0x0  }
0xa: {  	s7 =	simm.s32 $0x100;
	s5 =	sadd.s32 $0x20A000, s11;
	[sflag:s3] =	ssyncadd.s32 $0xFFFFFF80  }
0xb: {  	[tilespmem:s7], [sflag:$0x1] =	stream.indirect.gather [hbm4b:s5+s6], $0x80, s2, s6, $0xb8;
	[tilespmem:$0x8100] =	vst v63  }
0xc: {  	s8 =	sadd.s32 $0x10, s4  }
0xd: {  	[tilespmem:s6], [sflag:$0x3] =	stream.linear.gather [hbm4b:s8+s2], $0x80, $0x38;
	[tilespmem:$0x8100] =	vst v63  }
0xe: {  	_ =	swait.ge [sflag:s3], $0x80  }
0xf: {  	[sflag:s3] =	ssyncset.done $0x0  }
0x10: {  	s9 =	simm.s32 $0x4100;
	s10 =	simm.s32 $0x1;
	[sflag:s3] =	ssyncadd.s32 $0xFFFFFF80  }
0x11: {  	[tilespmem:s9], [sflag:$0x2] =	stream.indirect.gather [hbm4b:s5+s6], $0x80, s6, s6, $0xb8;
	[tilespmem:$0x8100] =	vst v63  }
0x12: {  	s12 =	sshll.u32 s12, $0x4;
	_ =	swait.ge [sflag:s10], $0x4000  }
0x13: {  	s18 =	sadd.s32 s12, s11;
	[sflag:s10] =	ssyncset.done $0x0  }
0x14: {  	s11 =	sadd.s32 $0x83600, s18;
	[sflag:s10] =	ssyncadd.s32 $0xFFFFC000  }
0x15: {  	[hbm4b:s11+s2] =	stream.linear.scatter [tilespmem:s7], [sflag:$0x3], $0x4000, $0x38;
	[tilespmem:$0x8100] =	vst v63  }
0x16: {  	_ =	swait.ge [sflag:s3], $0x4000  }
0x17: {  	[sflag:s3] =	ssyncset.done $0x0  }
0x18: {  	s12 =	sadd.s32 $0x20, s4;
	[sflag:s3] =	ssyncadd.s32 $0xFFFFC000  }
0x19: {  	[tilespmem:s2], [sflag:$0x3] =	stream.linear.gather [hbm4b:s12+s2], $0x80, $0x38;
	[tilespmem:$0x8100] =	vst v63  }
0x1a: {  	_ =	swait.ge [sflag:s3], $0x80  }
0x1b: {  	[sflag:s3] =	ssyncset.done $0x0  }
0x1c: {  	s13 =	simm.s32 $0x2;
	[sflag:s3] =	ssyncadd.s32 $0xFFFFFF80  }
0x1d: {  	[tilespmem:s7], [sflag:$0x1] =	stream.indirect.gather [hbm4b:s5+s6], $0x80, s2, s6, $0xb8;
	[tilespmem:$0x8100] =	vst v63  }
0x1e: {  	_ =	swait.ge [sflag:s13], $0x4000  }
0x1f: {  	[sflag:s13] =	ssyncset.done $0x0  }
0x20: {  	s14 =	sadd.s32 $0x83E00, s18;
	[sflag:s13] =	ssyncadd.s32 $0xFFFFC000  }
0x21: {  	[hbm4b:s14+s2] =	stream.linear.scatter [tilespmem:s9], [sflag:$0x3], $0x4000, $0x38;
	[tilespmem:$0x8100] =	vst v63  }
0x22: {  	_ =	swait.ge [sflag:s3], $0x4000  }
0x23: {  	[sflag:s3] =	ssyncset.done $0x0  }
0x24: {  	s15 =	sadd.s32 $0x30, s4;
	[sflag:s3] =	ssyncadd.s32 $0xFFFFC000  }
0x25: {  	[tilespmem:s6], [sflag:$0x3] =	stream.linear.gather [hbm4b:s15+s2], $0x80, $0x38;
	[tilespmem:$0x8100] =	vst v63  }
0x26: {  	_ =	swait.ge [sflag:s3], $0x80  }
0x27: {  	[sflag:s3] =	ssyncset.done $0x0  }
0x28: {  	[sflag:s3] =	ssyncadd.s32 $0xFFFFFF80  }
0x29: {  	[tilespmem:s9], [sflag:$0x2] =	stream.indirect.gather [hbm4b:s5+s6], $0x80, s6, s6, $0xb8;
	[tilespmem:$0x8100] =	vst v63  }
0x2a: {  	_ =	swait.ge [sflag:s10], $0x4000  }
0x2b: {  	[sflag:s10] =	ssyncset.done $0x0  }
0x2c: {  	s17 =	ssub.s32 $0x2, s17;
	s16 =	sadd.s32 $0x84600, s18;
	[sflag:s10] =	ssyncadd.s32 $0xFFFFC000  }
0x2d: {  	[hbm4b:s16+s2] =	stream.linear.scatter [tilespmem:s7], [sflag:$0x3], $0x4000, $0x38;
	[tilespmem:$0x8100] =	vst v63  }
0x2e: {  	s19 =	sshrl.u32 s17, $0x1;
	_ =	swait.ge [sflag:s3], $0x4000  }
0x2f: {  	s17 =	ssub.s32 s17, s19;
	[sflag:s3] =	ssyncset.done $0x0  }
0x30: {  	s19 =	smax.u32 s17, $0x1;
	[sflag:s3] =	ssyncadd.s32 $0xFFFFC000  }
0x31: {  	p0 =	sne.s32 s19, $0x1;
	_ =	swait.ge [sflag:s13], $0x4000  }
.Ltmp0:
0x32: {  	[sflag:s13] =	ssyncset.done $0x0;
	(pc) =	sbr.rel @!p0 .LBB2_2-.Ltmp0, $4  }
0x33: {  	s17 =	sadd.s32 $0x84E00, s18;
	[sflag:s13] =	ssyncadd.s32 $0xFFFFC000  }
0x34: {  	[hbm4b:s17+s2] =	stream.linear.scatter [tilespmem:s9], [sflag:$0x3], $0x4000, $0x38;
	[tilespmem:$0x8100] =	vst v63  }
0x35: {  	_ =	swait.ge [sflag:s3], $0x4000  }
0x36: {  	s18 =	sadd.s32 $0xFFFFFFFF, s19;
	[sflag:s3] =	ssyncset.done $0x0  }
.LBB2_1:
0x37: {  	p0 =	sne.s32 s18, $0x1;
	s18 =	sadd.s32 $0xFFFFFFFF, s18;
	[sflag:s3] =	ssyncadd.s32 $0xFFFFC000  }
0x38: {  	[tilespmem:s2], [sflag:$0x3] =	stream.linear.gather [hbm4b:s4+s2], $0x80, $0x38;
	[tilespmem:$0x8100] =	vst v63  }
0x39: {  	_ =	swait.ge [sflag:s3], $0x80  }
0x3a: {  	[sflag:s3] =	ssyncset.done $0x0  }
0x3b: {  	[sflag:s3] =	ssyncadd.s32 $0xFFFFFF80  }
0x3c: {  	[tilespmem:s7], [sflag:$0x1] =	stream.indirect.gather [hbm4b:s5+s6], $0x80, s2, s6, $0xb8;
	[tilespmem:$0x8100] =	vst v63  }
0x3d: {  	_ = 	snop  }
0x3e: {  	[tilespmem:s6], [sflag:$0x3] =	stream.linear.gather [hbm4b:s8+s2], $0x80, $0x38;
	[tilespmem:$0x8100] =	vst v63  }
0x3f: {  	_ =	swait.ge [sflag:s3], $0x80  }
0x40: {  	[sflag:s3] =	ssyncset.done $0x0  }
0x41: {  	[sflag:s3] =	ssyncadd.s32 $0xFFFFFF80  }
0x42: {  	[tilespmem:s9], [sflag:$0x2] =	stream.indirect.gather [hbm4b:s5+s6], $0x80, s6, s6, $0xb8;
	[tilespmem:$0x8100] =	vst v63  }
0x43: {  	_ =	swait.ge [sflag:s10], $0x4000  }
0x44: {  	[sflag:s10] =	ssyncset.done $0x0  }
0x45: {  	[sflag:s10] =	ssyncadd.s32 $0xFFFFC000  }
0x46: {  	[hbm4b:s11+s2] =	stream.linear.scatter [tilespmem:s7], [sflag:$0x3], $0x4000, $0x38;
	[tilespmem:$0x8100] =	vst v63  }
0x47: {  	_ =	swait.ge [sflag:s3], $0x4000  }
0x48: {  	[sflag:s3] =	ssyncset.done $0x0  }
0x49: {  	[sflag:s3] =	ssyncadd.s32 $0xFFFFC000  }
0x4a: {  	[tilespmem:s2], [sflag:$0x3] =	stream.linear.gather [hbm4b:s12+s2], $0x80, $0x38;
	[tilespmem:$0x8100] =	vst v63  }
0x4b: {  	_ =	swait.ge [sflag:s3], $0x80  }
0x4c: {  	[sflag:s3] =	ssyncset.done $0x0  }
0x4d: {  	[sflag:s3] =	ssyncadd.s32 $0xFFFFFF80  }
0x4e: {  	[tilespmem:s7], [sflag:$0x1] =	stream.indirect.gather [hbm4b:s5+s6], $0x80, s2, s6, $0xb8;
	[tilespmem:$0x8100] =	vst v63  }
0x4f: {  	_ =	swait.ge [sflag:s13], $0x4000  }
0x50: {  	[sflag:s13] =	ssyncset.done $0x0  }
0x51: {  	[sflag:s13] =	ssyncadd.s32 $0xFFFFC000  }
0x52: {  	[hbm4b:s14+s2] =	stream.linear.scatter [tilespmem:s9], [sflag:$0x3], $0x4000, $0x38;
	[tilespmem:$0x8100] =	vst v63  }
0x53: {  	_ =	swait.ge [sflag:s3], $0x4000  }
0x54: {  	[sflag:s3] =	ssyncset.done $0x0  }
0x55: {  	[sflag:s3] =	ssyncadd.s32 $0xFFFFC000  }
0x56: {  	[tilespmem:s6], [sflag:$0x3] =	stream.linear.gather [hbm4b:s15+s2], $0x80, $0x38;
	[tilespmem:$0x8100] =	vst v63  }
0x57: {  	_ =	swait.ge [sflag:s3], $0x80  }
0x58: {  	[sflag:s3] =	ssyncset.done $0x0  }
0x59: {  	[sflag:s3] =	ssyncadd.s32 $0xFFFFFF80  }
0x5a: {  	[tilespmem:s9], [sflag:$0x2] =	stream.indirect.gather [hbm4b:s5+s6], $0x80, s6, s6, $0xb8;
	[tilespmem:$0x8100] =	vst v63  }
0x5b: {  	_ =	swait.ge [sflag:s10], $0x4000  }
0x5c: {  	[sflag:s10] =	ssyncset.done $0x0  }
0x5d: {  	[sflag:s10] =	ssyncadd.s32 $0xFFFFC000  }
0x5e: {  	[hbm4b:s16+s2] =	stream.linear.scatter [tilespmem:s7], [sflag:$0x3], $0x4000, $0x38;
	[tilespmem:$0x8100] =	vst v63  }
0x5f: {  	_ =	swait.ge [sflag:s3], $0x4000  }
0x60: {  	[sflag:s3] =	ssyncset.done $0x0  }
0x61: {  	[sflag:s3] =	ssyncadd.s32 $0xFFFFC000  }
0x62: {  	_ =	swait.ge [sflag:s13], $0x4000  }
.Ltmp1:
0x63: {  	[sflag:s13] =	ssyncset.done $0x0;
	(pc) =	sbr.rel @p0 .LBB2_1-.Ltmp1, $4  }
0x64: {  	[sflag:s13] =	ssyncadd.s32 $0xFFFFC000  }
0x65: {  	[hbm4b:s17+s2] =	stream.linear.scatter [tilespmem:s9], [sflag:$0x3], $0x4000, $0x38;
	[tilespmem:$0x8100] =	vst v63  }
0x66: {  	_ =	swait.ge [sflag:s3], $0x4000  }
0x67: {  	[sflag:s3] =	ssyncset.done $0x0  }
.LBB2_2:
0x68: {  	[sflag:s3] =	ssyncadd.s32 $0xFFFFC000  }
0x69: {  	_ =	sfence.sel $0x180000  }
0x6a: {  	[bflag:$0x0] =	sbarrier.arrive $0xFFFF  }
0x6b: {  	p0 =	sne.s32 s0, $0x0;
	_ =	strace $0x9000004D  }
0x6c: {  	s0 =	sadd.s32 @!p0 $0x100000, s1;
	[bflag:$0x2] =	sbarrier.arrive $0xFFFF  }
0x6d: {  	[sflag:s0] =	ssyncadd.tile.s32 @!p0 $0x1;
	_ =	shalt  }
.Lfunc_end2:
_tile_overlayer_lowered:
.L_overlay_start_2:
0x6e: {  	(tag) =	ssettag $0x2  }
0x6f: {  	s0 =	rddreg [dreg:$0x0];
	s2 =	stileid.u32  }
0x70: {  	s1 =	rddreg [dreg:$0x1];
	p0 =	sne.s32 s2, $0x0  }
0x71: {  	s3 =	rddreg [dreg:$0x2];
	[bflag:$0x3] =	sbarrier.arrive $0xFFFF;
	s2 =	simm.s32 @!p0 $0x1C03  }
0x72: {  	[timem:s3], [sflag:s2] =	dma.local @!p0 [hbm:s0], s1  }
0x73: {  	s0 =	simm.s32 @!p0 $0x3  }
0x74: {  	_ =	swait.ge @!p0 [sflag:s0], s1  }
0x75: {  	s1 =	ssub.s32 @!p0 $0x0, s1;
	[sflag:s0] =	ssyncset.done @!p0 $0x0  }
0x76: {  	[sflag:s0] =	ssyncadd.s32 @!p0 s1  }
0x77: {  	[bflag:$0x3] =	sbarrier.arrive $0xFFFF  }
0x78: {  	_ =	shalt  }

// kernel: kernel.13.cloned.1.call-start
scs
__scs_entry_jumppad:
0x0: {  	(pc) =	sbr.rel $0x88, $3  }
0x1: {  	(tag) =	ssettag $0x0;
	lr =	simm.s32 $0x1  }
0x2: {  	[smem:$0x3F97] =	sst lr;
	_ =	strace $0xD0000000  }
0x3: {  	_ = 	snop  }
0x4: {  	_ = 	snop  }
0x5: {  	_ = 	snop  }
0x6: {  	_ = 	snop  }
0x7: {  	_ = 	snop  }
__scs_overlays_trampoline_lowered:
0x8: {  	[smem:$0x3FA6] =	sst s0  }
0x9: {  	[smem:$0x3FA7] =	sst s1  }
0xa: {  	[smem:$0x3FA8] =	sst s2  }
0xb: {  	[smem:$0x3FA9] =	sst s3  }
0xc: {  	[smem:$0x3FAA] =	sst s4  }
0xd: {  	[smem:$0x3FAB] =	sst s5  }
0xe: {  	[smem:$0x3FAC] =	sst s6  }
0xf: {  	[smem:$0x3FAD] =	sst s7  }
0x10: {  	[smem:$0x3FAE] =	sst s8  }
0x11: {  	[smem:$0x3FAF] =	sst s9;
	s0 =	simm.s32 @!p0 $0x0  }
0x12: {  	s1 =	sld [smem:$0x3F95];
	s0 =	simm.s32 @p0 $0x1  }
0x13: {  	[smem:$0x3FB0] =	sst s0;
	s0 =	simm.s32 @!p1 $0x0  }
0x14: {  	s2 =	sld [smem:$0x3F94];
	s0 =	simm.s32 @p1 $0x1  }
0x15: {  	[smem:$0x3FB1] =	sst s0;
	s0 =	simm.s32 @!p2 $0x0  }
0x16: {  	s3 =	sld [smem:$0x3FDB];
	s0 =	simm.s32 @p2 $0x1  }
0x17: {  	s4 =	simm.s32 $0x1BF5;
	[smem:$0x3FB3] =	sst s0  }
0x18: {  	s0 =	sld [smem:$0x3F96];
	_ =	swait.ge [sflag:s4], $0x0  }
0x19: {  	s7 =	sld [smem:$0x3F97]  }
0x1a: {  	s8 =	sadd.s32 $0xFFFFE003, lr  }
0x1b: {  	s9 =	sadd.s32 $0xFFFFFEF7, lr;
	s5 =	simm.s32 $0xFFFFFFFF;
	p2 =	slt.u32 s8, $0xFFFFF086  }
0x1c: {  	p1 =	slt.u32 s9, $0xF7A;
	s5 =	simm.s32 @!p2 $0x0  }
0x1d: {  	s5 =	simm.s32 @p1 $0x1;
	p0 =	seq.s32 s7, s2  }
0x1e: {  	s7 =	smul.u32 @!p0 $0xF7A, s2;
	p2 =	seq.s32 @!p0 s5, $0x0  }
0x1f: {  	s9 =	smul.u32 $0xF7A, s1;
	s8 =	simm.s32 @!p0 $0x1BF5;
	p2 =	por !p2, p0  }
0x20: {  	[sflag:s8] =	ssyncset.s32 @!p0 $0xFFFFF086;
	s6 =	sadd.s32 @!p0 s3, s7;
	s7 =	simm.s32 @!p0 $0x108  }
0x21: {  	s3 =	sadd.s32 s3, s9;
	s6 =	sadd.s32 @!p0 $0x88, s6;
	s7 =	simm.s32 @p2 $0x1082  }
0x22: {  	[simem:s7], [sflag:s8] =	dma.local @!p0 [hbm:s6], $0xF7A  }
0x23: {  	s9 =	sor.u32 $0xD0000000, s2;
	s6 =	simm.s32 $0x108;
	_ =	swait.ge @!p0 [sflag:s8], $0x0  }
0x24: {  	s3 =	sadd.s32 $0x88, s3;
	s6 =	simm.s32 @!p1 $0x1082;
	[sflag:s4] =	ssyncset.s32 $0xFFFFF086  }
0x25: {  	[simem:s6], [sflag:s4] =	dma.local [hbm:s3], $0xF7A  }
0x26: {  	[smem:$0x3F97] =	sst s1;
	(tag) =	ssettag s2;
	_ =	strace s9  }
0x27: {  	s1 =	sld [smem:$0x3FA7]  }
0x28: {  	s2 =	sld [smem:$0x3FA8]  }
0x29: {  	s4 =	sld [smem:$0x3FAA]  }
0x2a: {  	p0 =	seq.s32 s5, $0x0;
	s5 =	sld [smem:$0x3FAB]  }
0x2b: {  	s6 =	sld [smem:$0x3FAC]  }
0x2c: {  	s7 =	sld [smem:$0x3FAD]  }
0x2d: {  	s3 =	simm.s32 $0x108;
	s8 =	sld [smem:$0x3FAE]  }
0x2e: {  	s3 =	simm.s32 @!p0 $0x1082;
	s9 =	sld [smem:$0x3FAF]  }
0x2f: {  	lr =	sadd.s32 s0, s3;
	s0 =	sld [smem:$0x3FA6]  }
0x30: {  	s3 =	sld [smem:$0x3FA9]  }
0x31: {  	[smem:$0x3FB2] =	sst s10  }
0x32: {  	s10 =	sld [smem:$0x3FB0];
	_ =	sdelay $0x3  }
0x33: {  	p0 =	seq.s32 s10, $0x1;
	s10 =	sld [smem:$0x3FB2];
	_ =	sdelay $0x3  }
0x34: {  	[smem:$0x3FB2] =	sst s10  }
0x35: {  	s10 =	sld [smem:$0x3FB1];
	_ =	sdelay $0x3  }
0x36: {  	p1 =	seq.s32 s10, $0x1;
	s10 =	sld [smem:$0x3FB2];
	_ =	sdelay $0x3  }
0x37: {  	[smem:$0x3FB2] =	sst s10  }
0x38: {  	s10 =	sld [smem:$0x3FB3]  }
0x39: {  	_ = 	snop;
	(pc) =	sbr.ind lr, $3  }
0x3a: {  	_ = 	snop  }
0x3b: {  	_ = 	snop  }
0x3c: {  	p2 =	seq.s32 s10, $0x1;
	s10 =	sld [smem:$0x3FB2]  }
0x3d: {  	_ =	shalt  }
0x3e: {  	_ =	shalt  }
0x3f: {  	_ =	shalt  }
0x40: {  	_ =	shalt  }
0x41: {  	_ =	shalt  }
0x42: {  	_ =	shalt  }
0x43: {  	_ =	shalt  }
0x44: {  	_ =	shalt  }
0x45: {  	_ =	shalt  }
0x46: {  	_ =	shalt  }
0x47: {  	_ =	shalt  }
0x48: {  	_ =	shalt  }
0x49: {  	_ =	shalt  }
0x4a: {  	_ =	shalt  }
0x4b: {  	_ =	shalt  }
0x4c: {  	_ =	shalt  }
0x4d: {  	_ =	shalt  }
0x4e: {  	_ =	shalt  }
0x4f: {  	_ =	shalt  }
0x50: {  	_ =	shalt  }
0x51: {  	_ =	shalt  }
0x52: {  	_ =	shalt  }
0x53: {  	_ =	shalt  }
0x54: {  	_ =	shalt  }
0x55: {  	_ =	shalt  }
0x56: {  	_ =	shalt  }
0x57: {  	_ =	shalt  }
0x58: {  	_ =	shalt  }
0x59: {  	_ =	shalt  }
0x5a: {  	_ =	shalt  }
0x5b: {  	_ =	shalt  }
0x5c: {  	_ =	shalt  }
0x5d: {  	_ =	shalt  }
0x5e: {  	_ =	shalt  }
0x5f: {  	_ =	shalt  }
0x60: {  	_ =	shalt  }
0x61: {  	_ =	shalt  }
0x62: {  	_ =	shalt  }
0x63: {  	_ =	shalt  }
0x64: {  	_ =	shalt  }
0x65: {  	_ =	shalt  }
0x66: {  	_ =	shalt  }
0x67: {  	_ =	shalt  }
0x68: {  	_ =	shalt  }
0x69: {  	_ =	shalt  }
0x6a: {  	_ =	shalt  }
0x6b: {  	_ =	shalt  }
0x6c: {  	_ =	shalt  }
0x6d: {  	_ =	shalt  }
0x6e: {  	_ =	shalt  }
0x6f: {  	_ =	shalt  }
0x70: {  	_ =	shalt  }
0x71: {  	_ =	shalt  }
0x72: {  	_ =	shalt  }
0x73: {  	_ =	shalt  }
0x74: {  	_ =	shalt  }
0x75: {  	_ =	shalt  }
0x76: {  	_ =	shalt  }
0x77: {  	_ =	shalt  }
0x78: {  	_ =	shalt  }
0x79: {  	_ =	shalt  }
0x7a: {  	_ =	shalt  }
0x7b: {  	_ =	shalt  }
0x7c: {  	_ =	shalt  }
0x7d: {  	_ =	shalt  }
0x7e: {  	_ =	shalt  }
0x7f: {  	_ =	shalt  }
0x80: {  	_ =	shalt  }
0x81: {  	_ =	shalt  }
0x82: {  	_ =	shalt  }
0x83: {  	_ =	shalt  }
0x84: {  	_ =	shalt  }
0x85: {  	_ =	shalt  }
0x86: {  	_ =	shalt  }
0x87: {  	_ =	shalt  }
.Lfunc_end0:
.L_simem_size_0:
called_computation.2_lowered:
.L_overlay_start_0:
0x88: {  	s2 =	sld [smem:$0x3FD9]  }
0x89: {  	s3 =	sld [smem:$0x3FFE];
	_ =	sdelay $0x1  }
0x8a: {  	s1 =	srdreg.scid  }
0x8b: {  	s0 =	sand.u32 $0x1, s1  }
0x8c: {  	s17 =	sshll.u32 s0, $0xA;
	s2 =	sadd.s32 s3, s2  }
0x8d: {  	s2 =	sadd.s32 s2, s17  }
0x8e: {  	[smem:$0x3FBE] =	sst s2  }
0x8f: {  	_ = 	snop  }
0x90: {  	s2 =	sld [smem:$0x3FC9];
	(tm) =	ssettm $0x1  }
0x91: {  	s18 =	sld [smem:$0x3FFB];
	_ =	sdelay $0x3  }
0x92: {  	_ =	strace s18  }
0x93: {  	s3 =	sld [smem:$0x3FFC];
	_ =	sdelay $0x3  }
0x94: {  	_ =	strace s3  }
0x95: {  	s3 =	sld [smem:$0x3FFD];
	_ =	sdelay $0x3  }
0x96: {  	_ =	strace s3  }
0x97: {  	_ =	strace $0x8FFFFFFF  }
0x98: {  	s19 =	sld [smem:$0x3FDB];
	_ =	sdelay $0x1  }
0x99: {  	s4 =	simm.s32 $_scs_section_size  }
0x9a: {  	s5 =	simm.s32 $_size__tile_overlayer_lowered;
	s6 =	simm.s32 $_tile_overlayer_lowered  }
0x9b: {  	s22 =	simm.s32 $0x1BFF;
	s21 =	sshll.u32 s6, $0x1;
	s3 =	sadd.s32 s4, s19  }
0x9c: {  	s7 =	simm.s32 $0x0;
	s20 =	sshll.u32 s5, $0x1;
	s5 =	sadd.s32 s21, s3  }
0x9d: {  	[timem:s7], [sflag:s22] =	dma.local [hbm:s5], s20  }
0x9e: {  	_ =	swait.ge [sflag:s22], s20  }
0x9f: {  	s4 =	ssub.s32 $0x0, s20;
	[sflag:s22] =	ssyncset.done $0x0  }
0xa0: {  	[sflag:s22] =	ssyncadd.s32 s4;
	_ =	sdelay $0x1  }
0xa1: {  	s23 =	simm.s32 $0x1B8B  }
0xa2: {  	_ =	swait.ge [sflag:s23], $0x1  }
0xa3: {  	[sflag:s23] =	ssyncset.done $0x0  }
0xa4: {  	s25 =	simm.s32 $0x1B8E;
	s24 =	sld [smem:$0x3FFE];
	[sflag:s23] =	ssyncadd.s32 $0xFFFFFFFF  }
0xa5: {  	s26 =	simm.s32 $execute0_lowered;
	[smem:$0x3FD2] =	sst s25  }
0xa6: {  	s5 =	sshll.u32 s26, $0x1;
	_ =	strace $0x80000046;
	[dreg:$0x1] =	wrdreg $0xFFFFFFFF  }
0xa7: {  	s28 =	simm.s32 $_size_execute0_lowered;
	s3 =	sadd.s32 s3, s5;
	[dreg:$0x0] =	wrdreg $0x0  }
0xa8: {  	s5 =	sshll.u32 s28, $0x1;
	[dreg:$0x2] =	wrdreg s3  }
0xa9: {  	[dreg:$0x3] =	wrdreg s5  }
0xaa: {  	[dreg:$0x4] =	wrdreg $0xC0  }
0xab: {  	_ =	task [dreg:s7], $0x5FFFF  }
0xac: {  	[dreg:$0x1] =	wrdreg $0xFFFFFFFF  }
0xad: {  	[dreg:$0x0] =	wrdreg $0x60  }
0xae: {  	[dreg:$0x2] =	wrdreg s2  }
0xaf: {  	[dreg:$0x3] =	wrdreg s24  }
0xb0: {  	[dreg:$0x4] =	wrdreg $0xB  }
0xb1: {  	_ =	task.clear_ibuf [dreg:s7], $0x5FFFF;
	_ =	strace $0x90000046  }
0xb2: {  	s29 =	simm.s32 $0xB;
	_ =	strace $0x80000048  }
0xb3: {  	_ =	swait.ge [sflag:s29], $0x1  }
0xb4: {  	[sflag:s29] =	ssyncadd.s32 $0xFFFFFFFF  }
0xb5: {  	_ =	strace $0x90000048  }
0xb6: {  	_ =	sfence  }
0xb7: {  	s30 =	sld [smem:$0x0];
	_ =	sdelay $0x2  }
0xb8: {  	s31 =	sshll.u32 s1, $0xD;
	s1 =	sshrl.u32 s1, $0x2  }
0xb9: {  	s3 =	sand.u32 $0x4000, s31;
	s1 =	sadd.s32 s1, s30  }
0xba: {  	s0 =	sor.u32 s3, s0;
	s1 =	sshll.u32 s1, $0x11  }
0xbb: {  	s0 =	sor.u32 s1, s0  }
0xbc: {  	s0 =	sadd.s32 $0x8F2B, s0  }
0xbd: {  	[sflag:s0] =	ssyncadd.remote.s32 $0x1  }
0xbe: {  	_ =	sfence.sel $0xFFFF  }
0xbf: {  	[dreg:$0x0] =	wrdreg $0xFFFFFFFF;
	(pc) =	sbr.abs _section_cstart, $3  }
0xc0: {  	[dreg:$0x1] =	wrdreg $0xFFFFFFFF  }
0xc1: {  	_ =	task.clear_ibuf [dreg:s7], $0x2FFFF;
	_ =	strace $0x9FFFFFFF  }
0xc2: {  	(tm) =	ssettm $0x7FFFFFFF  }
0xc3: {  	_ =	shalt  }
tec
execute0_lowered:
.L_overlay_start_1:
0x0: {  	(tag) =	ssettag $0x1  }
0x1: {  	s1 =	srdreg.scid  }
0x2: {  	s3 =	rddreg [dreg:$0x0];
	s0 =	stileid.u32;
	s17 =	sand.u32 $0x1, s1  }
0x3: {  	s11 =	rddreg [dreg:$0x1];
	s4 =	sshll.u32 s0, $0xA;
	s5 =	sshll.u32 s17, $0x9  }
0x4: {  	s2 =	simm.s32 $0x0;
	s1 =	rddreg [dreg:$0x2];
	s12 =	sor.u32 s5, s4  }
0x5: {  	[smem:$0x7FF] =	sst s2;
	s4 =	sshrl.u32 s12, $0x3  }
0x6: {  	_ =	strace $0x80000047;
	s4 =	sadd.s32 s3, s4;
	s3 =	simm.s32 $0x3  }
0x7: {  	[tilespmem:s2], [sflag:$0x3] =	stream.linear.gather [hbm4b:s4+s2], $0x80, $0x38;
	[tilespmem:$0x8100] =	vst v63  }
0x8: {  	_ =	swait.ge [sflag:s3], $0x80  }
0x9: {  	s6 =	simm.s32 $0x80;
	[sflag:s3] =	ssyncset.done $0x0  }
0xa: {  	s7 =	simm.s32 $0x100;
	s5 =	sadd.s32 $0xF45A00, s11;
	[sflag:s3] =	ssyncadd.s32 $0xFFFFFF80  }
0xb: {  	[tilespmem:s7], [sflag:$0x1] =	stream.indirect.gather [hbm4b:s5+s6], $0x80, s2, s6, $0xb8;
	[tilespmem:$0x8100] =	vst v63  }
0xc: {  	s8 =	sadd.s32 $0x10, s4  }
0xd: {  	[tilespmem:s6], [sflag:$0x3] =	stream.linear.gather [hbm4b:s8+s2], $0x80, $0x38;
	[tilespmem:$0x8100] =	vst v63  }
0xe: {  	_ =	swait.ge [sflag:s3], $0x80  }
0xf: {  	[sflag:s3] =	ssyncset.done $0x0  }
0x10: {  	s9 =	simm.s32 $0x4100;
	s10 =	simm.s32 $0x1;
	[sflag:s3] =	ssyncadd.s32 $0xFFFFFF80  }
0x11: {  	[tilespmem:s9], [sflag:$0x2] =	stream.indirect.gather [hbm4b:s5+s6], $0x80, s6, s6, $0xb8;
	[tilespmem:$0x8100] =	vst v63  }
0x12: {  	s12 =	sshll.u32 s12, $0x4;
	_ =	swait.ge [sflag:s10], $0x4000  }
0x13: {  	s18 =	sadd.s32 s12, s11;
	[sflag:s10] =	ssyncset.done $0x0  }
0x14: {  	s11 =	sadd.s32 $0x3600, s18;
	[sflag:s10] =	ssyncadd.s32 $0xFFFFC000  }
0x15: {  	[hbm4b:s11+s2] =	stream.linear.scatter [tilespmem:s7], [sflag:$0x3], $0x4000, $0x38;
	[tilespmem:$0x8100] =	vst v63  }
0x16: {  	_ =	swait.ge [sflag:s3], $0x4000  }
0x17: {  	[sflag:s3] =	ssyncset.done $0x0  }
0x18: {  	s12 =	sadd.s32 $0x20, s4;
	[sflag:s3] =	ssyncadd.s32 $0xFFFFC000  }
0x19: {  	[tilespmem:s2], [sflag:$0x3] =	stream.linear.gather [hbm4b:s12+s2], $0x80, $0x38;
	[tilespmem:$0x8100] =	vst v63  }
0x1a: {  	_ =	swait.ge [sflag:s3], $0x80  }
0x1b: {  	[sflag:s3] =	ssyncset.done $0x0  }
0x1c: {  	s13 =	simm.s32 $0x2;
	[sflag:s3] =	ssyncadd.s32 $0xFFFFFF80  }
0x1d: {  	[tilespmem:s7], [sflag:$0x1] =	stream.indirect.gather [hbm4b:s5+s6], $0x80, s2, s6, $0xb8;
	[tilespmem:$0x8100] =	vst v63  }
0x1e: {  	_ =	swait.ge [sflag:s13], $0x4000  }
0x1f: {  	[sflag:s13] =	ssyncset.done $0x0  }
0x20: {  	s14 =	sadd.s32 $0x3E00, s18;
	[sflag:s13] =	ssyncadd.s32 $0xFFFFC000  }
0x21: {  	[hbm4b:s14+s2] =	stream.linear.scatter [tilespmem:s9], [sflag:$0x3], $0x4000, $0x38;
	[tilespmem:$0x8100] =	vst v63  }
0x22: {  	_ =	swait.ge [sflag:s3], $0x4000  }
0x23: {  	[sflag:s3] =	ssyncset.done $0x0  }
0x24: {  	s15 =	sadd.s32 $0x30, s4;
	[sflag:s3] =	ssyncadd.s32 $0xFFFFC000  }
0x25: {  	[tilespmem:s6], [sflag:$0x3] =	stream.linear.gather [hbm4b:s15+s2], $0x80, $0x38;
	[tilespmem:$0x8100] =	vst v63  }
0x26: {  	_ =	swait.ge [sflag:s3], $0x80  }
0x27: {  	[sflag:s3] =	ssyncset.done $0x0  }
0x28: {  	[sflag:s3] =	ssyncadd.s32 $0xFFFFFF80  }
0x29: {  	[tilespmem:s9], [sflag:$0x2] =	stream.indirect.gather [hbm4b:s5+s6], $0x80, s6, s6, $0xb8;
	[tilespmem:$0x8100] =	vst v63  }
0x2a: {  	_ =	swait.ge [sflag:s10], $0x4000  }
0x2b: {  	[sflag:s10] =	ssyncset.done $0x0  }
0x2c: {  	s17 =	ssub.s32 $0x2, s17;
	s16 =	sadd.s32 $0x4600, s18;
	[sflag:s10] =	ssyncadd.s32 $0xFFFFC000  }
0x2d: {  	[hbm4b:s16+s2] =	stream.linear.scatter [tilespmem:s7], [sflag:$0x3], $0x4000, $0x38;
	[tilespmem:$0x8100] =	vst v63  }
0x2e: {  	s19 =	sshrl.u32 s17, $0x1;
	_ =	swait.ge [sflag:s3], $0x4000  }
0x2f: {  	s17 =	ssub.s32 s17, s19;
	[sflag:s3] =	ssyncset.done $0x0  }
0x30: {  	s19 =	smax.u32 s17, $0x1;
	[sflag:s3] =	ssyncadd.s32 $0xFFFFC000  }
0x31: {  	p0 =	sne.s32 s19, $0x1;
	_ =	swait.ge [sflag:s13], $0x4000  }
.Ltmp0:
0x32: {  	[sflag:s13] =	ssyncset.done $0x0;
	(pc) =	sbr.rel @!p0 .LBB2_2-.Ltmp0, $4  }
0x33: {  	s17 =	sadd.s32 $0x4E00, s18;
	[sflag:s13] =	ssyncadd.s32 $0xFFFFC000  }
0x34: {  	[hbm4b:s17+s2] =	stream.linear.scatter [tilespmem:s9], [sflag:$0x3], $0x4000, $0x38;
	[tilespmem:$0x8100] =	vst v63  }
0x35: {  	_ =	swait.ge [sflag:s3], $0x4000  }
0x36: {  	s18 =	sadd.s32 $0xFFFFFFFF, s19;
	[sflag:s3] =	ssyncset.done $0x0  }
.LBB2_1:
0x37: {  	p0 =	sne.s32 s18, $0x1;
	s18 =	sadd.s32 $0xFFFFFFFF, s18;
	[sflag:s3] =	ssyncadd.s32 $0xFFFFC000  }
0x38: {  	[tilespmem:s2], [sflag:$0x3] =	stream.linear.gather [hbm4b:s4+s2], $0x80, $0x38;
	[tilespmem:$0x8100] =	vst v63  }
0x39: {  	_ =	swait.ge [sflag:s3], $0x80  }
0x3a: {  	[sflag:s3] =	ssyncset.done $0x0  }
0x3b: {  	[sflag:s3] =	ssyncadd.s32 $0xFFFFFF80  }
0x3c: {  	[tilespmem:s7], [sflag:$0x1] =	stream.indirect.gather [hbm4b:s5+s6], $0x80, s2, s6, $0xb8;
	[tilespmem:$0x8100] =	vst v63  }
0x3d: {  	_ = 	snop  }
0x3e: {  	[tilespmem:s6], [sflag:$0x3] =	stream.linear.gather [hbm4b:s8+s2], $0x80, $0x38;
	[tilespmem:$0x8100] =	vst v63  }
0x3f: {  	_ =	swait.ge [sflag:s3], $0x80  }
0x40: {  	[sflag:s3] =	ssyncset.done $0x0  }
0x41: {  	[sflag:s3] =	ssyncadd.s32 $0xFFFFFF80  }
0x42: {  	[tilespmem:s9], [sflag:$0x2] =	stream.indirect.gather [hbm4b:s5+s6], $0x80, s6, s6, $0xb8;
	[tilespmem:$0x8100] =	vst v63  }
0x43: {  	_ =	swait.ge [sflag:s10], $0x4000  }
0x44: {  	[sflag:s10] =	ssyncset.done $0x0  }
0x45: {  	[sflag:s10] =	ssyncadd.s32 $0xFFFFC000  }
0x46: {  	[hbm4b:s11+s2] =	stream.linear.scatter [tilespmem:s7], [sflag:$0x3], $0x4000, $0x38;
	[tilespmem:$0x8100] =	vst v63  }
0x47: {  	_ =	swait.ge [sflag:s3], $0x4000  }
0x48: {  	[sflag:s3] =	ssyncset.done $0x0  }
0x49: {  	[sflag:s3] =	ssyncadd.s32 $0xFFFFC000  }
0x4a: {  	[tilespmem:s2], [sflag:$0x3] =	stream.linear.gather [hbm4b:s12+s2], $0x80, $0x38;
	[tilespmem:$0x8100] =	vst v63  }
0x4b: {  	_ =	swait.ge [sflag:s3], $0x80  }
0x4c: {  	[sflag:s3] =	ssyncset.done $0x0  }
0x4d: {  	[sflag:s3] =	ssyncadd.s32 $0xFFFFFF80  }
0x4e: {  	[tilespmem:s7], [sflag:$0x1] =	stream.indirect.gather [hbm4b:s5+s6], $0x80, s2, s6, $0xb8;
	[tilespmem:$0x8100] =	vst v63  }
0x4f: {  	_ =	swait.ge [sflag:s13], $0x4000  }
0x50: {  	[sflag:s13] =	ssyncset.done $0x0  }
0x51: {  	[sflag:s13] =	ssyncadd.s32 $0xFFFFC000  }
0x52: {  	[hbm4b:s14+s2] =	stream.linear.scatter [tilespmem:s9], [sflag:$0x3], $0x4000, $0x38;
	[tilespmem:$0x8100] =	vst v63  }
0x53: {  	_ =	swait.ge [sflag:s3], $0x4000  }
0x54: {  	[sflag:s3] =	ssyncset.done $0x0  }
0x55: {  	[sflag:s3] =	ssyncadd.s32 $0xFFFFC000  }
0x56: {  	[tilespmem:s6], [sflag:$0x3] =	stream.linear.gather [hbm4b:s15+s2], $0x80, $0x38;
	[tilespmem:$0x8100] =	vst v63  }
0x57: {  	_ =	swait.ge [sflag:s3], $0x80  }
0x58: {  	[sflag:s3] =	ssyncset.done $0x0  }
0x59: {  	[sflag:s3] =	ssyncadd.s32 $0xFFFFFF80  }
0x5a: {  	[tilespmem:s9], [sflag:$0x2] =	stream.indirect.gather [hbm4b:s5+s6], $0x80, s6, s6, $0xb8;
	[tilespmem:$0x8100] =	vst v63  }
0x5b: {  	_ =	swait.ge [sflag:s10], $0x4000  }
0x5c: {  	[sflag:s10] =	ssyncset.done $0x0  }
0x5d: {  	[sflag:s10] =	ssyncadd.s32 $0xFFFFC000  }
0x5e: {  	[hbm4b:s16+s2] =	stream.linear.scatter [tilespmem:s7], [sflag:$0x3], $0x4000, $0x38;
	[tilespmem:$0x8100] =	vst v63  }
0x5f: {  	_ =	swait.ge [sflag:s3], $0x4000  }
0x60: {  	[sflag:s3] =	ssyncset.done $0x0  }
0x61: {  	[sflag:s3] =	ssyncadd.s32 $0xFFFFC000  }
0x62: {  	_ =	swait.ge [sflag:s13], $0x4000  }
.Ltmp1:
0x63: {  	[sflag:s13] =	ssyncset.done $0x0;
	(pc) =	sbr.rel @p0 .LBB2_1-.Ltmp1, $4  }
0x64: {  	[sflag:s13] =	ssyncadd.s32 $0xFFFFC000  }
0x65: {  	[hbm4b:s17+s2] =	stream.linear.scatter [tilespmem:s9], [sflag:$0x3], $0x4000, $0x38;
	[tilespmem:$0x8100] =	vst v63  }
0x66: {  	_ =	swait.ge [sflag:s3], $0x4000  }
0x67: {  	[sflag:s3] =	ssyncset.done $0x0  }
.LBB2_2:
0x68: {  	[sflag:s3] =	ssyncadd.s32 $0xFFFFC000  }
0x69: {  	_ =	sfence.sel $0x180000  }
0x6a: {  	[bflag:$0x0] =	sbarrier.arrive $0xFFFF  }
0x6b: {  	p0 =	sne.s32 s0, $0x0;
	_ =	strace $0x90000047  }
0x6c: {  	s0 =	sadd.s32 @!p0 $0x100000, s1;
	[bflag:$0x2] =	sbarrier.arrive $0xFFFF  }
0x6d: {  	[sflag:s0] =	ssyncadd.tile.s32 @!p0 $0x1;
	_ =	shalt  }
.Lfunc_end2:
_tile_overlayer_lowered:
.L_overlay_start_2:
0x6e: {  	(tag) =	ssettag $0x2  }
0x6f: {  	s0 =	rddreg [dreg:$0x0];
	s2 =	stileid.u32  }
0x70: {  	s1 =	rddreg [dreg:$0x1];
	p0 =	sne.s32 s2, $0x0  }
0x71: {  	s3 =	rddreg [dreg:$0x2];
	[bflag:$0x3] =	sbarrier.arrive $0xFFFF;
	s2 =	simm.s32 @!p0 $0x1C03  }
0x72: {  	[timem:s3], [sflag:s2] =	dma.local @!p0 [hbm:s0], s1  }
0x73: {  	s0 =	simm.s32 @!p0 $0x3  }
0x74: {  	_ =	swait.ge @!p0 [sflag:s0], s1  }
0x75: {  	s1 =	ssub.s32 @!p0 $0x0, s1;
	[sflag:s0] =	ssyncset.done @!p0 $0x0  }
0x76: {  	[sflag:s0] =	ssyncadd.s32 @!p0 s1  }
0x77: {  	[bflag:$0x3] =	sbarrier.arrive $0xFFFF  }
0x78: {  	_ =	shalt  }

// kernel: kernel.16.cloned.1.call-start
scs
__scs_entry_jumppad:
0x0: {  	(pc) =	sbr.rel $0x88, $3  }
0x1: {  	(tag) =	ssettag $0x0;
	lr =	simm.s32 $0x1  }
0x2: {  	[smem:$0x3F97] =	sst lr;
	_ =	strace $0xD0000000  }
0x3: {  	_ = 	snop  }
0x4: {  	_ = 	snop  }
0x5: {  	_ = 	snop  }
0x6: {  	_ = 	snop  }
0x7: {  	_ = 	snop  }
__scs_overlays_trampoline_lowered:
0x8: {  	[smem:$0x3FA6] =	sst s0  }
0x9: {  	[smem:$0x3FA7] =	sst s1  }
0xa: {  	[smem:$0x3FA8] =	sst s2  }
0xb: {  	[smem:$0x3FA9] =	sst s3  }
0xc: {  	[smem:$0x3FAA] =	sst s4  }
0xd: {  	[smem:$0x3FAB] =	sst s5  }
0xe: {  	[smem:$0x3FAC] =	sst s6  }
0xf: {  	[smem:$0x3FAD] =	sst s7  }
0x10: {  	[smem:$0x3FAE] =	sst s8  }
0x11: {  	[smem:$0x3FAF] =	sst s9;
	s0 =	simm.s32 @!p0 $0x0  }
0x12: {  	s1 =	sld [smem:$0x3F95];
	s0 =	simm.s32 @p0 $0x1  }
0x13: {  	[smem:$0x3FB0] =	sst s0;
	s0 =	simm.s32 @!p1 $0x0  }
0x14: {  	s2 =	sld [smem:$0x3F94];
	s0 =	simm.s32 @p1 $0x1  }
0x15: {  	[smem:$0x3FB1] =	sst s0;
	s0 =	simm.s32 @!p2 $0x0  }
0x16: {  	s3 =	sld [smem:$0x3FDB];
	s0 =	simm.s32 @p2 $0x1  }
0x17: {  	s4 =	simm.s32 $0x1BF5;
	[smem:$0x3FB3] =	sst s0  }
0x18: {  	s0 =	sld [smem:$0x3F96];
	_ =	swait.ge [sflag:s4], $0x0  }
0x19: {  	s7 =	sld [smem:$0x3F97]  }
0x1a: {  	s8 =	sadd.s32 $0xFFFFE003, lr  }
0x1b: {  	s9 =	sadd.s32 $0xFFFFFEF7, lr;
	s5 =	simm.s32 $0xFFFFFFFF;
	p2 =	slt.u32 s8, $0xFFFFF086  }
0x1c: {  	p1 =	slt.u32 s9, $0xF7A;
	s5 =	simm.s32 @!p2 $0x0  }
0x1d: {  	s5 =	simm.s32 @p1 $0x1;
	p0 =	seq.s32 s7, s2  }
0x1e: {  	s7 =	smul.u32 @!p0 $0xF7A, s2;
	p2 =	seq.s32 @!p0 s5, $0x0  }
0x1f: {  	s9 =	smul.u32 $0xF7A, s1;
	s8 =	simm.s32 @!p0 $0x1BF5;
	p2 =	por !p2, p0  }
0x20: {  	[sflag:s8] =	ssyncset.s32 @!p0 $0xFFFFF086;
	s6 =	sadd.s32 @!p0 s3, s7;
	s7 =	simm.s32 @!p0 $0x108  }
0x21: {  	s3 =	sadd.s32 s3, s9;
	s6 =	sadd.s32 @!p0 $0x88, s6;
	s7 =	simm.s32 @p2 $0x1082  }
0x22: {  	[simem:s7], [sflag:s8] =	dma.local @!p0 [hbm:s6], $0xF7A  }
0x23: {  	s9 =	sor.u32 $0xD0000000, s2;
	s6 =	simm.s32 $0x108;
	_ =	swait.ge @!p0 [sflag:s8], $0x0  }
0x24: {  	s3 =	sadd.s32 $0x88, s3;
	s6 =	simm.s32 @!p1 $0x1082;
	[sflag:s4] =	ssyncset.s32 $0xFFFFF086  }
0x25: {  	[simem:s6], [sflag:s4] =	dma.local [hbm:s3], $0xF7A  }
0x26: {  	[smem:$0x3F97] =	sst s1;
	(tag) =	ssettag s2;
	_ =	strace s9  }
0x27: {  	s1 =	sld [smem:$0x3FA7]  }
0x28: {  	s2 =	sld [smem:$0x3FA8]  }
0x29: {  	s4 =	sld [smem:$0x3FAA]  }
0x2a: {  	p0 =	seq.s32 s5, $0x0;
	s5 =	sld [smem:$0x3FAB]  }
0x2b: {  	s6 =	sld [smem:$0x3FAC]  }
0x2c: {  	s7 =	sld [smem:$0x3FAD]  }
0x2d: {  	s3 =	simm.s32 $0x108;
	s8 =	sld [smem:$0x3FAE]  }
0x2e: {  	s3 =	simm.s32 @!p0 $0x1082;
	s9 =	sld [smem:$0x3FAF]  }
0x2f: {  	lr =	sadd.s32 s0, s3;
	s0 =	sld [smem:$0x3FA6]  }
0x30: {  	s3 =	sld [smem:$0x3FA9]  }
0x31: {  	[smem:$0x3FB2] =	sst s10  }
0x32: {  	s10 =	sld [smem:$0x3FB0];
	_ =	sdelay $0x3  }
0x33: {  	p0 =	seq.s32 s10, $0x1;
	s10 =	sld [smem:$0x3FB2];
	_ =	sdelay $0x3  }
0x34: {  	[smem:$0x3FB2] =	sst s10  }
0x35: {  	s10 =	sld [smem:$0x3FB1];
	_ =	sdelay $0x3  }
0x36: {  	p1 =	seq.s32 s10, $0x1;
	s10 =	sld [smem:$0x3FB2];
	_ =	sdelay $0x3  }
0x37: {  	[smem:$0x3FB2] =	sst s10  }
0x38: {  	s10 =	sld [smem:$0x3FB3]  }
0x39: {  	_ = 	snop;
	(pc) =	sbr.ind lr, $3  }
0x3a: {  	_ = 	snop  }
0x3b: {  	_ = 	snop  }
0x3c: {  	p2 =	seq.s32 s10, $0x1;
	s10 =	sld [smem:$0x3FB2]  }
0x3d: {  	_ =	shalt  }
0x3e: {  	_ =	shalt  }
0x3f: {  	_ =	shalt  }
0x40: {  	_ =	shalt  }
0x41: {  	_ =	shalt  }
0x42: {  	_ =	shalt  }
0x43: {  	_ =	shalt  }
0x44: {  	_ =	shalt  }
0x45: {  	_ =	shalt  }
0x46: {  	_ =	shalt  }
0x47: {  	_ =	shalt  }
0x48: {  	_ =	shalt  }
0x49: {  	_ =	shalt  }
0x4a: {  	_ =	shalt  }
0x4b: {  	_ =	shalt  }
0x4c: {  	_ =	shalt  }
0x4d: {  	_ =	shalt  }
0x4e: {  	_ =	shalt  }
0x4f: {  	_ =	shalt  }
0x50: {  	_ =	shalt  }
0x51: {  	_ =	shalt  }
0x52: {  	_ =	shalt  }
0x53: {  	_ =	shalt  }
0x54: {  	_ =	shalt  }
0x55: {  	_ =	shalt  }
0x56: {  	_ =	shalt  }
0x57: {  	_ =	shalt  }
0x58: {  	_ =	shalt  }
0x59: {  	_ =	shalt  }
0x5a: {  	_ =	shalt  }
0x5b: {  	_ =	shalt  }
0x5c: {  	_ =	shalt  }
0x5d: {  	_ =	shalt  }
0x5e: {  	_ =	shalt  }
0x5f: {  	_ =	shalt  }
0x60: {  	_ =	shalt  }
0x61: {  	_ =	shalt  }
0x62: {  	_ =	shalt  }
0x63: {  	_ =	shalt  }
0x64: {  	_ =	shalt  }
0x65: {  	_ =	shalt  }
0x66: {  	_ =	shalt  }
0x67: {  	_ =	shalt  }
0x68: {  	_ =	shalt  }
0x69: {  	_ =	shalt  }
0x6a: {  	_ =	shalt  }
0x6b: {  	_ =	shalt  }
0x6c: {  	_ =	shalt  }
0x6d: {  	_ =	shalt  }
0x6e: {  	_ =	shalt  }
0x6f: {  	_ =	shalt  }
0x70: {  	_ =	shalt  }
0x71: {  	_ =	shalt  }
0x72: {  	_ =	shalt  }
0x73: {  	_ =	shalt  }
0x74: {  	_ =	shalt  }
0x75: {  	_ =	shalt  }
0x76: {  	_ =	shalt  }
0x77: {  	_ =	shalt  }
0x78: {  	_ =	shalt  }
0x79: {  	_ =	shalt  }
0x7a: {  	_ =	shalt  }
0x7b: {  	_ =	shalt  }
0x7c: {  	_ =	shalt  }
0x7d: {  	_ =	shalt  }
0x7e: {  	_ =	shalt  }
0x7f: {  	_ =	shalt  }
0x80: {  	_ =	shalt  }
0x81: {  	_ =	shalt  }
0x82: {  	_ =	shalt  }
0x83: {  	_ =	shalt  }
0x84: {  	_ =	shalt  }
0x85: {  	_ =	shalt  }
0x86: {  	_ =	shalt  }
0x87: {  	_ =	shalt  }
.Lfunc_end0:
.L_simem_size_0:
called_computation.3_lowered:
.L_overlay_start_0:
0x88: {  	s2 =	sld [smem:$0x3FD9]  }
0x89: {  	s3 =	sld [smem:$0x3FFE];
	_ =	sdelay $0x1  }
0x8a: {  	s1 =	srdreg.scid  }
0x8b: {  	s0 =	sand.u32 $0x1, s1  }
0x8c: {  	s17 =	sshll.u32 s0, $0xA;
	s2 =	sadd.s32 s3, s2  }
0x8d: {  	s2 =	sadd.s32 s2, s17  }
0x8e: {  	[smem:$0x3FBE] =	sst s2  }
0x8f: {  	_ = 	snop  }
0x90: {  	s18 =	sld [smem:$0x3FC9];
	(tm) =	ssettm $0x1  }
0x91: {  	s19 =	sld [smem:$0x3FFB];
	_ =	sdelay $0x3  }
0x92: {  	_ =	strace s19  }
0x93: {  	s2 =	sld [smem:$0x3FFC];
	_ =	sdelay $0x3  }
0x94: {  	_ =	strace s2  }
0x95: {  	s2 =	sld [smem:$0x3FFD];
	_ =	sdelay $0x3  }
0x96: {  	_ =	strace s2  }
0x97: {  	_ =	strace $0x8FFFFFFF  }
0x98: {  	s20 =	sld [smem:$0x3FDB];
	_ =	sdelay $0x1  }
0x99: {  	s4 =	simm.s32 $_scs_section_size  }
0x9a: {  	s5 =	simm.s32 $_size__tile_overlayer_lowered;
	s6 =	simm.s32 $_tile_overlayer_lowered  }
0x9b: {  	s7 =	simm.s32 $0x1BFF;
	s21 =	sshll.u32 s6, $0x1;
	s4 =	sadd.s32 s4, s20  }
0x9c: {  	s22 =	simm.s32 $0x0;
	s5 =	sshll.u32 s5, $0x1;
	s6 =	sadd.s32 s21, s4  }
0x9d: {  	[timem:s22], [sflag:s7] =	dma.local [hbm:s6], s5  }
0x9e: {  	_ =	swait.ge [sflag:s7], s5  }
0x9f: {  	s5 =	ssub.s32 $0x0, s5;
	[sflag:s7] =	ssyncset.done $0x0  }
0xa0: {  	[sflag:s7] =	ssyncadd.s32 s5;
	_ =	sdelay $0x1  }
0xa1: {  	s23 =	simm.s32 $0x1B8B  }
0xa2: {  	_ =	swait.ge [sflag:s23], $0x1  }
0xa3: {  	[sflag:s23] =	ssyncset.done $0x0  }
0xa4: {  	[sflag:s23] =	ssyncadd.s32 $0xFFFFFFFF  }
0xa5: {  	s5 =	sld [smem:$0x0]  }
0xa6: {  	s6 =	sand.u32 $0xFFFFFFFE, s1  }
0xa7: {  	p0 =	sne.s32 s1, s6  }
0xa8: {  	s6 =	sshll.u32 @p0 s6, $0xE  }
0xa9: {  	s6 =	sadd.s32 @p0 $0x11B8D, s6;
	s7 =	sshll.u32 @p0 s5, $0x11  }
0xaa: {  	s6 =	sor.u32 @p0 s7, s6  }
0xab: {  	[sflag:s6] =	ssyncadd.remote.s32 @p0 $0x1;
	_ =	sdelay $0x1  }
0xac: {  	s6 =	simm.s32 @p0 $0x1B8D  }
0xad: {  	_ =	swait.eq @p0 [sflag:s6], $0x1  }
0xae: {  	[sflag:s6] =	ssyncadd.s32 @p0 $0xFFFFFFFF  }
0xaf: {  	s7 =	sshll.u32 @!p0 s1, $0xE  }
0xb0: {  	s7 =	sor.u32 @!p0 $0x4000, s7;
	s6 =	simm.s32 @!p0 $0x1B8D  }
0xb1: {  	s5 =	sshll.u32 @!p0 s5, $0x11;
	s7 =	sadd.s32 @!p0 $0x11B8D, s7;
	_ =	swait.eq @!p0 [sflag:s6], $0x1  }
0xb2: {  	s5 =	sor.u32 @!p0 s5, s7;
	[sflag:s6] =	ssyncadd.s32 @!p0 $0xFFFFFFFF  }
0xb3: {  	s25 =	simm.s32 $0x1B8E;
	s24 =	sld [smem:$0x3FFE];
	[sflag:s5] =	ssyncadd.remote.s32 @!p0 $0x1  }
0xb4: {  	s26 =	simm.s32 $execute0_lowered;
	[smem:$0x3FD2] =	sst s25  }
0xb5: {  	s6 =	sshll.u32 s26, $0x1;
	_ =	strace $0x80000049;
	[dreg:$0x1] =	wrdreg $0xFFFFFFFF  }
0xb6: {  	s28 =	simm.s32 $_size_execute0_lowered;
	s4 =	sadd.s32 s4, s6;
	[dreg:$0x0] =	wrdreg $0x0  }
0xb7: {  	s6 =	sshll.u32 s28, $0x1;
	[dreg:$0x2] =	wrdreg s4  }
0xb8: {  	[dreg:$0x3] =	wrdreg s6  }
0xb9: {  	[dreg:$0x4] =	wrdreg $0xC0  }
0xba: {  	_ =	task [dreg:s22], $0x5FFFF  }
0xbb: {  	[dreg:$0x1] =	wrdreg $0xFFFFFFFF  }
0xbc: {  	[dreg:$0x0] =	wrdreg $0x60  }
0xbd: {  	[dreg:$0x2] =	wrdreg s18  }
0xbe: {  	[dreg:$0x3] =	wrdreg s24  }
0xbf: {  	[dreg:$0x4] =	wrdreg $0xC  }
0xc0: {  	_ =	task.clear_ibuf [dreg:s22], $0x5FFFF;
	_ =	strace $0x90000049  }
0xc1: {  	s29 =	simm.s32 $0xC;
	_ =	strace $0x8000004B  }
0xc2: {  	_ =	swait.ge [sflag:s29], $0x1  }
0xc3: {  	[sflag:s29] =	ssyncadd.s32 $0xFFFFFFFF  }
0xc4: {  	_ =	strace $0x9000004B  }
0xc5: {  	_ =	sfence  }
0xc6: {  	s30 =	sld [smem:$0x0];
	_ =	sdelay $0x2  }
0xc7: {  	s31 =	sshll.u32 s1, $0xD;
	s1 =	sshrl.u32 s1, $0x2  }
0xc8: {  	s4 =	sand.u32 $0x4000, s31;
	s1 =	sadd.s32 s1, s30  }
0xc9: {  	s0 =	sor.u32 s4, s0;
	s1 =	sshll.u32 s1, $0x11  }
0xca: {  	s0 =	sor.u32 s1, s0  }
0xcb: {  	s0 =	sadd.s32 $0x8F2B, s0  }
0xcc: {  	[sflag:s0] =	ssyncadd.remote.s32 $0x1  }
0xcd: {  	_ =	sfence.sel $0xFFFF  }
0xce: {  	[dreg:$0x0] =	wrdreg $0xFFFFFFFF;
	(pc) =	sbr.abs _section_cstart, $3  }
0xcf: {  	[dreg:$0x1] =	wrdreg $0xFFFFFFFF  }
0xd0: {  	_ =	task.clear_ibuf [dreg:s22], $0x2FFFF;
	_ =	strace $0x9FFFFFFF  }
0xd1: {  	(tm) =	ssettm $0x7FFFFFFF  }
tec
execute0_lowered:
.L_overlay_start_1:
0x0: {  	(tag) =	ssettag $0x1  }
0x1: {  	s1 =	srdreg.scid  }
0x2: {  	s3 =	rddreg [dreg:$0x0];
	s0 =	stileid.u32;
	s17 =	sand.u32 $0x1, s1  }
0x3: {  	s11 =	rddreg [dreg:$0x1];
	s4 =	sshll.u32 s0, $0xA;
	s5 =	sshll.u32 s17, $0x9  }
0x4: {  	s2 =	simm.s32 $0x0;
	s1 =	rddreg [dreg:$0x2];
	s12 =	sor.u32 s5, s4  }
0x5: {  	[smem:$0x7FF] =	sst s2;
	s4 =	sshrl.u32 s12, $0x3  }
0x6: {  	_ =	strace $0x8000004A;
	s4 =	sadd.s32 s3, s4;
	s3 =	simm.s32 $0x3  }
0x7: {  	[tilespmem:s2], [sflag:$0x3] =	stream.linear.gather [hbm4b:s4+s2], $0x80, $0x38;
	[tilespmem:$0x8100] =	vst v63  }
0x8: {  	_ =	swait.ge [sflag:s3], $0x80  }
0x9: {  	s6 =	simm.s32 $0x80;
	[sflag:s3] =	ssyncset.done $0x0  }
0xa: {  	s7 =	simm.s32 $0x100;
	s5 =	sadd.s32 $0x2DCA200, s11;
	[sflag:s3] =	ssyncadd.s32 $0xFFFFFF80  }
0xb: {  	[tilespmem:s7], [sflag:$0x1] =	stream.indirect.gather [hbm4b:s5+s6], $0x80, s2, s6, $0xb8;
	[tilespmem:$0x8100] =	vst v63  }
0xc: {  	s8 =	sadd.s32 $0x10, s4  }
0xd: {  	[tilespmem:s6], [sflag:$0x3] =	stream.linear.gather [hbm4b:s8+s2], $0x80, $0x38;
	[tilespmem:$0x8100] =	vst v63  }
0xe: {  	_ =	swait.ge [sflag:s3], $0x80  }
0xf: {  	[sflag:s3] =	ssyncset.done $0x0  }
0x10: {  	s9 =	simm.s32 $0x4100;
	s10 =	simm.s32 $0x1;
	[sflag:s3] =	ssyncadd.s32 $0xFFFFFF80  }
0x11: {  	[tilespmem:s9], [sflag:$0x2] =	stream.indirect.gather [hbm4b:s5+s6], $0x80, s6, s6, $0xb8;
	[tilespmem:$0x8100] =	vst v63  }
0x12: {  	s12 =	sshll.u32 s12, $0x4;
	_ =	swait.ge [sflag:s10], $0x4000  }
0x13: {  	s18 =	sadd.s32 s12, s11;
	[sflag:s10] =	ssyncset.done $0x0  }
0x14: {  	s11 =	sadd.s32 $0x43600, s18;
	[sflag:s10] =	ssyncadd.s32 $0xFFFFC000  }
0x15: {  	[hbm4b:s11+s2] =	stream.linear.scatter [tilespmem:s7], [sflag:$0x3], $0x4000, $0x38;
	[tilespmem:$0x8100] =	vst v63  }
0x16: {  	_ =	swait.ge [sflag:s3], $0x4000  }
0x17: {  	[sflag:s3] =	ssyncset.done $0x0  }
0x18: {  	s12 =	sadd.s32 $0x20, s4;
	[sflag:s3] =	ssyncadd.s32 $0xFFFFC000  }
0x19: {  	[tilespmem:s2], [sflag:$0x3] =	stream.linear.gather [hbm4b:s12+s2], $0x80, $0x38;
	[tilespmem:$0x8100] =	vst v63  }
0x1a: {  	_ =	swait.ge [sflag:s3], $0x80  }
0x1b: {  	[sflag:s3] =	ssyncset.done $0x0  }
0x1c: {  	s13 =	simm.s32 $0x2;
	[sflag:s3] =	ssyncadd.s32 $0xFFFFFF80  }
0x1d: {  	[tilespmem:s7], [sflag:$0x1] =	stream.indirect.gather [hbm4b:s5+s6], $0x80, s2, s6, $0xb8;
	[tilespmem:$0x8100] =	vst v63  }
0x1e: {  	_ =	swait.ge [sflag:s13], $0x4000  }
0x1f: {  	[sflag:s13] =	ssyncset.done $0x0  }
0x20: {  	s14 =	sadd.s32 $0x43E00, s18;
	[sflag:s13] =	ssyncadd.s32 $0xFFFFC000  }
0x21: {  	[hbm4b:s14+s2] =	stream.linear.scatter [tilespmem:s9], [sflag:$0x3], $0x4000, $0x38;
	[tilespmem:$0x8100] =	vst v63  }
0x22: {  	_ =	swait.ge [sflag:s3], $0x4000  }
0x23: {  	[sflag:s3] =	ssyncset.done $0x0  }
0x24: {  	s15 =	sadd.s32 $0x30, s4;
	[sflag:s3] =	ssyncadd.s32 $0xFFFFC000  }
0x25: {  	[tilespmem:s6], [sflag:$0x3] =	stream.linear.gather [hbm4b:s15+s2], $0x80, $0x38;
	[tilespmem:$0x8100] =	vst v63  }
0x26: {  	_ =	swait.ge [sflag:s3], $0x80  }
0x27: {  	[sflag:s3] =	ssyncset.done $0x0  }
0x28: {  	[sflag:s3] =	ssyncadd.s32 $0xFFFFFF80  }
0x29: {  	[tilespmem:s9], [sflag:$0x2] =	stream.indirect.gather [hbm4b:s5+s6], $0x80, s6, s6, $0xb8;
	[tilespmem:$0x8100] =	vst v63  }
0x2a: {  	_ =	swait.ge [sflag:s10], $0x4000  }
0x2b: {  	[sflag:s10] =	ssyncset.done $0x0  }
0x2c: {  	s17 =	ssub.s32 $0x2, s17;
	s16 =	sadd.s32 $0x44600, s18;
	[sflag:s10] =	ssyncadd.s32 $0xFFFFC000  }
0x2d: {  	[hbm4b:s16+s2] =	stream.linear.scatter [tilespmem:s7], [sflag:$0x3], $0x4000, $0x38;
	[tilespmem:$0x8100] =	vst v63  }
0x2e: {  	s19 =	sshrl.u32 s17, $0x1;
	_ =	swait.ge [sflag:s3], $0x4000  }
0x2f: {  	s17 =	ssub.s32 s17, s19;
	[sflag:s3] =	ssyncset.done $0x0  }
0x30: {  	s19 =	smax.u32 s17, $0x1;
	[sflag:s3] =	ssyncadd.s32 $0xFFFFC000  }
0x31: {  	p0 =	sne.s32 s19, $0x1;
	_ =	swait.ge [sflag:s13], $0x4000  }
.Ltmp0:
0x32: {  	[sflag:s13] =	ssyncset.done $0x0;
	(pc) =	sbr.rel @!p0 .LBB2_2-.Ltmp0, $4  }
0x33: {  	s17 =	sadd.s32 $0x44E00, s18;
	[sflag:s13] =	ssyncadd.s32 $0xFFFFC000  }
0x34: {  	[hbm4b:s17+s2] =	stream.linear.scatter [tilespmem:s9], [sflag:$0x3], $0x4000, $0x38;
	[tilespmem:$0x8100] =	vst v63  }
0x35: {  	_ =	swait.ge [sflag:s3], $0x4000  }
0x36: {  	s18 =	sadd.s32 $0xFFFFFFFF, s19;
	[sflag:s3] =	ssyncset.done $0x0  }
.LBB2_1:
0x37: {  	p0 =	sne.s32 s18, $0x1;
	s18 =	sadd.s32 $0xFFFFFFFF, s18;
	[sflag:s3] =	ssyncadd.s32 $0xFFFFC000  }
0x38: {  	[tilespmem:s2], [sflag:$0x3] =	stream.linear.gather [hbm4b:s4+s2], $0x80, $0x38;
	[tilespmem:$0x8100] =	vst v63  }
0x39: {  	_ =	swait.ge [sflag:s3], $0x80  }
0x3a: {  	[sflag:s3] =	ssyncset.done $0x0  }
0x3b: {  	[sflag:s3] =	ssyncadd.s32 $0xFFFFFF80  }
0x3c: {  	[tilespmem:s7], [sflag:$0x1] =	stream.indirect.gather [hbm4b:s5+s6], $0x80, s2, s6, $0xb8;
	[tilespmem:$0x8100] =	vst v63  }
0x3d: {  	_ = 	snop  }
0x3e: {  	[tilespmem:s6], [sflag:$0x3] =	stream.linear.gather [hbm4b:s8+s2], $0x80, $0x38;
	[tilespmem:$0x8100] =	vst v63  }
0x3f: {  	_ =	swait.ge [sflag:s3], $0x80  }
0x40: {  	[sflag:s3] =	ssyncset.done $0x0  }
0x41: {  	[sflag:s3] =	ssyncadd.s32 $0xFFFFFF80  }
0x42: {  	[tilespmem:s9], [sflag:$0x2] =	stream.indirect.gather [hbm4b:s5+s6], $0x80, s6, s6, $0xb8;
	[tilespmem:$0x8100] =	vst v63  }
0x43: {  	_ =	swait.ge [sflag:s10], $0x4000  }
0x44: {  	[sflag:s10] =	ssyncset.done $0x0  }
0x45: {  	[sflag:s10] =	ssyncadd.s32 $0xFFFFC000  }
0x46: {  	[hbm4b:s11+s2] =	stream.linear.scatter [tilespmem:s7], [sflag:$0x3], $0x4000, $0x38;
	[tilespmem:$0x8100] =	vst v63  }
0x47: {  	_ =	swait.ge [sflag:s3], $0x4000  }
0x48: {  	[sflag:s3] =	ssyncset.done $0x0  }
0x49: {  	[sflag:s3] =	ssyncadd.s32 $0xFFFFC000  }
0x4a: {  	[tilespmem:s2], [sflag:$0x3] =	stream.linear.gather [hbm4b:s12+s2], $0x80, $0x38;
	[tilespmem:$0x8100] =	vst v63  }
0x4b: {  	_ =	swait.ge [sflag:s3], $0x80  }
0x4c: {  	[sflag:s3] =	ssyncset.done $0x0  }
0x4d: {  	[sflag:s3] =	ssyncadd.s32 $0xFFFFFF80  }
0x4e: {  	[tilespmem:s7], [sflag:$0x1] =	stream.indirect.gather [hbm4b:s5+s6], $0x80, s2, s6, $0xb8;
	[tilespmem:$0x8100] =	vst v63  }
0x4f: {  	_ =	swait.ge [sflag:s13], $0x4000  }
0x50: {  	[sflag:s13] =	ssyncset.done $0x0  }
0x51: {  	[sflag:s13] =	ssyncadd.s32 $0xFFFFC000  }
0x52: {  	[hbm4b:s14+s2] =	stream.linear.scatter [tilespmem:s9], [sflag:$0x3], $0x4000, $0x38;
	[tilespmem:$0x8100] =	vst v63  }
0x53: {  	_ =	swait.ge [sflag:s3], $0x4000  }
0x54: {  	[sflag:s3] =	ssyncset.done $0x0  }
0x55: {  	[sflag:s3] =	ssyncadd.s32 $0xFFFFC000  }
0x56: {  	[tilespmem:s6], [sflag:$0x3] =	stream.linear.gather [hbm4b:s15+s2], $0x80, $0x38;
	[tilespmem:$0x8100] =	vst v63  }
0x57: {  	_ =	swait.ge [sflag:s3], $0x80  }
0x58: {  	[sflag:s3] =	ssyncset.done $0x0  }
0x59: {  	[sflag:s3] =	ssyncadd.s32 $0xFFFFFF80  }
0x5a: {  	[tilespmem:s9], [sflag:$0x2] =	stream.indirect.gather [hbm4b:s5+s6], $0x80, s6, s6, $0xb8;
	[tilespmem:$0x8100] =	vst v63  }
0x5b: {  	_ =	swait.ge [sflag:s10], $0x4000  }
0x5c: {  	[sflag:s10] =	ssyncset.done $0x0  }
0x5d: {  	[sflag:s10] =	ssyncadd.s32 $0xFFFFC000  }
0x5e: {  	[hbm4b:s16+s2] =	stream.linear.scatter [tilespmem:s7], [sflag:$0x3], $0x4000, $0x38;
	[tilespmem:$0x8100] =	vst v63  }
0x5f: {  	_ =	swait.ge [sflag:s3], $0x4000  }
0x60: {  	[sflag:s3] =	ssyncset.done $0x0  }
0x61: {  	[sflag:s3] =	ssyncadd.s32 $0xFFFFC000  }
0x62: {  	_ =	swait.ge [sflag:s13], $0x4000  }
.Ltmp1:
0x63: {  	[sflag:s13] =	ssyncset.done $0x0;
	(pc) =	sbr.rel @p0 .LBB2_1-.Ltmp1, $4  }
0x64: {  	[sflag:s13] =	ssyncadd.s32 $0xFFFFC000  }
0x65: {  	[hbm4b:s17+s2] =	stream.linear.scatter [tilespmem:s9], [sflag:$0x3], $0x4000, $0x38;
	[tilespmem:$0x8100] =	vst v63  }
0x66: {  	_ =	swait.ge [sflag:s3], $0x4000  }
0x67: {  	[sflag:s3] =	ssyncset.done $0x0  }
.LBB2_2:
0x68: {  	[sflag:s3] =	ssyncadd.s32 $0xFFFFC000  }
0x69: {  	_ =	sfence.sel $0x180000  }
0x6a: {  	[bflag:$0x0] =	sbarrier.arrive $0xFFFF  }
0x6b: {  	p0 =	sne.s32 s0, $0x0;
	_ =	strace $0x9000004A  }
0x6c: {  	s0 =	sadd.s32 @!p0 $0x100000, s1;
	[bflag:$0x2] =	sbarrier.arrive $0xFFFF  }
0x6d: {  	[sflag:s0] =	ssyncadd.tile.s32 @!p0 $0x1;
	_ =	shalt  }
.Lfunc_end2:
_tile_overlayer_lowered:
.L_overlay_start_2:
0x6e: {  	(tag) =	ssettag $0x2  }
0x6f: {  	s0 =	rddreg [dreg:$0x0];
	s2 =	stileid.u32  }
0x70: {  	s1 =	rddreg [dreg:$0x1];
	p0 =	sne.s32 s2, $0x0  }
0x71: {  	s3 =	rddreg [dreg:$0x2];
	[bflag:$0x3] =	sbarrier.arrive $0xFFFF;
	s2 =	simm.s32 @!p0 $0x1C03  }
0x72: {  	[timem:s3], [sflag:s2] =	dma.local @!p0 [hbm:s0], s1  }
0x73: {  	s0 =	simm.s32 @!p0 $0x3  }
0x74: {  	_ =	swait.ge @!p0 [sflag:s0], s1  }
0x75: {  	s1 =	ssub.s32 @!p0 $0x0, s1;
	[sflag:s0] =	ssyncset.done @!p0 $0x0  }
0x76: {  	[sflag:s0] =	ssyncadd.s32 @!p0 s1  }
0x77: {  	[bflag:$0x3] =	sbarrier.arrive $0xFFFF  }
0x78: {  	_ =	shalt  }

// kernel: kernel.7.cloned.1.call-start
scs
__scs_entry_jumppad:
0x0: {  	(pc) =	sbr.rel $0x88, $3  }
0x1: {  	(tag) =	ssettag $0x0;
	lr =	simm.s32 $0x1  }
0x2: {  	[smem:$0x3F97] =	sst lr;
	_ =	strace $0xD0000000  }
0x3: {  	_ = 	snop  }
0x4: {  	_ = 	snop  }
0x5: {  	_ = 	snop  }
0x6: {  	_ = 	snop  }
0x7: {  	_ = 	snop  }
__scs_overlays_trampoline_lowered:
0x8: {  	[smem:$0x3FA6] =	sst s0  }
0x9: {  	[smem:$0x3FA7] =	sst s1  }
0xa: {  	[smem:$0x3FA8] =	sst s2  }
0xb: {  	[smem:$0x3FA9] =	sst s3  }
0xc: {  	[smem:$0x3FAA] =	sst s4  }
0xd: {  	[smem:$0x3FAB] =	sst s5  }
0xe: {  	[smem:$0x3FAC] =	sst s6  }
0xf: {  	[smem:$0x3FAD] =	sst s7  }
0x10: {  	[smem:$0x3FAE] =	sst s8  }
0x11: {  	[smem:$0x3FAF] =	sst s9;
	s0 =	simm.s32 @!p0 $0x0  }
0x12: {  	s1 =	sld [smem:$0x3F95];
	s0 =	simm.s32 @p0 $0x1  }
0x13: {  	[smem:$0x3FB0] =	sst s0;
	s0 =	simm.s32 @!p1 $0x0  }
0x14: {  	s2 =	sld [smem:$0x3F94];
	s0 =	simm.s32 @p1 $0x1  }
0x15: {  	[smem:$0x3FB1] =	sst s0;
	s0 =	simm.s32 @!p2 $0x0  }
0x16: {  	s3 =	sld [smem:$0x3FDB];
	s0 =	simm.s32 @p2 $0x1  }
0x17: {  	s4 =	simm.s32 $0x1BF5;
	[smem:$0x3FB3] =	sst s0  }
0x18: {  	s0 =	sld [smem:$0x3F96];
	_ =	swait.ge [sflag:s4], $0x0  }
0x19: {  	s7 =	sld [smem:$0x3F97]  }
0x1a: {  	s8 =	sadd.s32 $0xFFFFE003, lr  }
0x1b: {  	s9 =	sadd.s32 $0xFFFFFEF7, lr;
	s5 =	simm.s32 $0xFFFFFFFF;
	p2 =	slt.u32 s8, $0xFFFFF086  }
0x1c: {  	p1 =	slt.u32 s9, $0xF7A;
	s5 =	simm.s32 @!p2 $0x0  }
0x1d: {  	s5 =	simm.s32 @p1 $0x1;
	p0 =	seq.s32 s7, s2  }
0x1e: {  	s7 =	smul.u32 @!p0 $0xF7A, s2;
	p2 =	seq.s32 @!p0 s5, $0x0  }
0x1f: {  	s9 =	smul.u32 $0xF7A, s1;
	s8 =	simm.s32 @!p0 $0x1BF5;
	p2 =	por !p2, p0  }
0x20: {  	[sflag:s8] =	ssyncset.s32 @!p0 $0xFFFFF086;
	s6 =	sadd.s32 @!p0 s3, s7;
	s7 =	simm.s32 @!p0 $0x108  }
0x21: {  	s3 =	sadd.s32 s3, s9;
	s6 =	sadd.s32 @!p0 $0x88, s6;
	s7 =	simm.s32 @p2 $0x1082  }
0x22: {  	[simem:s7], [sflag:s8] =	dma.local @!p0 [hbm:s6], $0xF7A  }
0x23: {  	s9 =	sor.u32 $0xD0000000, s2;
	s6 =	simm.s32 $0x108;
	_ =	swait.ge @!p0 [sflag:s8], $0x0  }
0x24: {  	s3 =	sadd.s32 $0x88, s3;
	s6 =	simm.s32 @!p1 $0x1082;
	[sflag:s4] =	ssyncset.s32 $0xFFFFF086  }
0x25: {  	[simem:s6], [sflag:s4] =	dma.local [hbm:s3], $0xF7A  }
0x26: {  	[smem:$0x3F97] =	sst s1;
	(tag) =	ssettag s2;
	_ =	strace s9  }
0x27: {  	s1 =	sld [smem:$0x3FA7]  }
0x28: {  	s2 =	sld [smem:$0x3FA8]  }
0x29: {  	s4 =	sld [smem:$0x3FAA]  }
0x2a: {  	p0 =	seq.s32 s5, $0x0;
	s5 =	sld [smem:$0x3FAB]  }
0x2b: {  	s6 =	sld [smem:$0x3FAC]  }
0x2c: {  	s7 =	sld [smem:$0x3FAD]  }
0x2d: {  	s3 =	simm.s32 $0x108;
	s8 =	sld [smem:$0x3FAE]  }
0x2e: {  	s3 =	simm.s32 @!p0 $0x1082;
	s9 =	sld [smem:$0x3FAF]  }
0x2f: {  	lr =	sadd.s32 s0, s3;
	s0 =	sld [smem:$0x3FA6]  }
0x30: {  	s3 =	sld [smem:$0x3FA9]  }
0x31: {  	[smem:$0x3FB2] =	sst s10  }
0x32: {  	s10 =	sld [smem:$0x3FB0];
	_ =	sdelay $0x3  }
0x33: {  	p0 =	seq.s32 s10, $0x1;
	s10 =	sld [smem:$0x3FB2];
	_ =	sdelay $0x3  }
0x34: {  	[smem:$0x3FB2] =	sst s10  }
0x35: {  	s10 =	sld [smem:$0x3FB1];
	_ =	sdelay $0x3  }
0x36: {  	p1 =	seq.s32 s10, $0x1;
	s10 =	sld [smem:$0x3FB2];
	_ =	sdelay $0x3  }
0x37: {  	[smem:$0x3FB2] =	sst s10  }
0x38: {  	s10 =	sld [smem:$0x3FB3]  }
0x39: {  	_ = 	snop;
	(pc) =	sbr.ind lr, $3  }
0x3a: {  	_ = 	snop  }
0x3b: {  	_ = 	snop  }
0x3c: {  	p2 =	seq.s32 s10, $0x1;
	s10 =	sld [smem:$0x3FB2]  }
0x3d: {  	_ =	shalt  }
0x3e: {  	_ =	shalt  }
0x3f: {  	_ =	shalt  }
0x40: {  	_ =	shalt  }
0x41: {  	_ =	shalt  }
0x42: {  	_ =	shalt  }
0x43: {  	_ =	shalt  }
0x44: {  	_ =	shalt  }
0x45: {  	_ =	shalt  }
0x46: {  	_ =	shalt  }
0x47: {  	_ =	shalt  }
0x48: {  	_ =	shalt  }
0x49: {  	_ =	shalt  }
0x4a: {  	_ =	shalt  }
0x4b: {  	_ =	shalt  }
0x4c: {  	_ =	shalt  }
0x4d: {  	_ =	shalt  }
0x4e: {  	_ =	shalt  }
0x4f: {  	_ =	shalt  }
0x50: {  	_ =	shalt  }
0x51: {  	_ =	shalt  }
0x52: {  	_ =	shalt  }
0x53: {  	_ =	shalt  }
0x54: {  	_ =	shalt  }
0x55: {  	_ =	shalt  }
0x56: {  	_ =	shalt  }
0x57: {  	_ =	shalt  }
0x58: {  	_ =	shalt  }
0x59: {  	_ =	shalt  }
0x5a: {  	_ =	shalt  }
0x5b: {  	_ =	shalt  }
0x5c: {  	_ =	shalt  }
0x5d: {  	_ =	shalt  }
0x5e: {  	_ =	shalt  }
0x5f: {  	_ =	shalt  }
0x60: {  	_ =	shalt  }
0x61: {  	_ =	shalt  }
0x62: {  	_ =	shalt  }
0x63: {  	_ =	shalt  }
0x64: {  	_ =	shalt  }
0x65: {  	_ =	shalt  }
0x66: {  	_ =	shalt  }
0x67: {  	_ =	shalt  }
0x68: {  	_ =	shalt  }
0x69: {  	_ =	shalt  }
0x6a: {  	_ =	shalt  }
0x6b: {  	_ =	shalt  }
0x6c: {  	_ =	shalt  }
0x6d: {  	_ =	shalt  }
0x6e: {  	_ =	shalt  }
0x6f: {  	_ =	shalt  }
0x70: {  	_ =	shalt  }
0x71: {  	_ =	shalt  }
0x72: {  	_ =	shalt  }
0x73: {  	_ =	shalt  }
0x74: {  	_ =	shalt  }
0x75: {  	_ =	shalt  }
0x76: {  	_ =	shalt  }
0x77: {  	_ =	shalt  }
0x78: {  	_ =	shalt  }
0x79: {  	_ =	shalt  }
0x7a: {  	_ =	shalt  }
0x7b: {  	_ =	shalt  }
0x7c: {  	_ =	shalt  }
0x7d: {  	_ =	shalt  }
0x7e: {  	_ =	shalt  }
0x7f: {  	_ =	shalt  }
0x80: {  	_ =	shalt  }
0x81: {  	_ =	shalt  }
0x82: {  	_ =	shalt  }
0x83: {  	_ =	shalt  }
0x84: {  	_ =	shalt  }
0x85: {  	_ =	shalt  }
0x86: {  	_ =	shalt  }
0x87: {  	_ =	shalt  }
.Lfunc_end0:
.L_simem_size_0:
called_computation_lowered:
.L_overlay_start_0:
0x88: {  	s2 =	sld [smem:$0x3FD9]  }
0x89: {  	s3 =	sld [smem:$0x3FFE];
	_ =	sdelay $0x1  }
0x8a: {  	s1 =	srdreg.scid  }
0x8b: {  	s0 =	sand.u32 $0x1, s1  }
0x8c: {  	s17 =	sshll.u32 s0, $0xA;
	s2 =	sadd.s32 s3, s2  }
0x8d: {  	s2 =	sadd.s32 s2, s17  }
0x8e: {  	[smem:$0x3FBE] =	sst s2  }
0x8f: {  	_ = 	snop  }
0x90: {  	s18 =	sld [smem:$0x3FC8];
	(tm) =	ssettm $0x1  }
0x91: {  	s19 =	sld [smem:$0x3FFB];
	_ =	sdelay $0x3  }
0x92: {  	_ =	strace s19  }
0x93: {  	s2 =	sld [smem:$0x3FFC];
	_ =	sdelay $0x3  }
0x94: {  	_ =	strace s2  }
0x95: {  	s2 =	sld [smem:$0x3FFD];
	_ =	sdelay $0x3  }
0x96: {  	_ =	strace s2  }
0x97: {  	_ =	strace $0x8FFFFFFF  }
0x98: {  	s20 =	sld [smem:$0x3FDB];
	_ =	sdelay $0x1  }
0x99: {  	s4 =	simm.s32 $_scs_section_size  }
0x9a: {  	s5 =	simm.s32 $_size__tile_overlayer_lowered;
	s6 =	simm.s32 $_tile_overlayer_lowered  }
0x9b: {  	s7 =	simm.s32 $0x1BFF;
	s21 =	sshll.u32 s6, $0x1;
	s4 =	sadd.s32 s4, s20  }
0x9c: {  	s22 =	simm.s32 $0x0;
	s5 =	sshll.u32 s5, $0x1;
	s6 =	sadd.s32 s21, s4  }
0x9d: {  	[timem:s22], [sflag:s7] =	dma.local [hbm:s6], s5  }
0x9e: {  	_ =	swait.ge [sflag:s7], s5  }
0x9f: {  	s5 =	ssub.s32 $0x0, s5;
	[sflag:s7] =	ssyncset.done $0x0  }
0xa0: {  	[sflag:s7] =	ssyncadd.s32 s5;
	_ =	sdelay $0x1  }
0xa1: {  	s23 =	simm.s32 $0x1B8B  }
0xa2: {  	_ =	swait.ge [sflag:s23], $0x1  }
0xa3: {  	[sflag:s23] =	ssyncset.done $0x0  }
0xa4: {  	[sflag:s23] =	ssyncadd.s32 $0xFFFFFFFF  }
0xa5: {  	s5 =	sld [smem:$0x0]  }
0xa6: {  	s6 =	sand.u32 $0xFFFFFFFE, s1  }
0xa7: {  	p0 =	sne.s32 s1, s6  }
0xa8: {  	s6 =	sshll.u32 @p0 s6, $0xE  }
0xa9: {  	s6 =	sadd.s32 @p0 $0x11B8D, s6;
	s7 =	sshll.u32 @p0 s5, $0x11  }
0xaa: {  	s6 =	sor.u32 @p0 s7, s6  }
0xab: {  	[sflag:s6] =	ssyncadd.remote.s32 @p0 $0x1;
	_ =	sdelay $0x1  }
0xac: {  	s6 =	simm.s32 @p0 $0x1B8D  }
0xad: {  	_ =	swait.eq @p0 [sflag:s6], $0x1  }
0xae: {  	[sflag:s6] =	ssyncadd.s32 @p0 $0xFFFFFFFF  }
0xaf: {  	s7 =	sshll.u32 @!p0 s1, $0xE  }
0xb0: {  	s7 =	sor.u32 @!p0 $0x4000, s7;
	s6 =	simm.s32 @!p0 $0x1B8D  }
0xb1: {  	s5 =	sshll.u32 @!p0 s5, $0x11;
	s7 =	sadd.s32 @!p0 $0x11B8D, s7;
	_ =	swait.eq @!p0 [sflag:s6], $0x1  }
0xb2: {  	s5 =	sor.u32 @!p0 s5, s7;
	[sflag:s6] =	ssyncadd.s32 @!p0 $0xFFFFFFFF  }
0xb3: {  	s25 =	simm.s32 $0x1B8E;
	s24 =	sld [smem:$0x3FFE];
	[sflag:s5] =	ssyncadd.remote.s32 @!p0 $0x1  }
0xb4: {  	s26 =	simm.s32 $execute0_lowered;
	[smem:$0x3FD2] =	sst s25  }
0xb5: {  	s6 =	sshll.u32 s26, $0x1;
	_ =	strace $0x8000004F;
	[dreg:$0x1] =	wrdreg $0xFFFFFFFF  }
0xb6: {  	s28 =	simm.s32 $_size_execute0_lowered;
	s4 =	sadd.s32 s4, s6;
	[dreg:$0x0] =	wrdreg $0x0  }
0xb7: {  	s6 =	sshll.u32 s28, $0x1;
	[dreg:$0x2] =	wrdreg s4  }
0xb8: {  	[dreg:$0x3] =	wrdreg s6  }
0xb9: {  	[dreg:$0x4] =	wrdreg $0xC0  }
0xba: {  	_ =	task [dreg:s22], $0x5FFFF  }
0xbb: {  	[dreg:$0x1] =	wrdreg $0xFFFFFFFF  }
0xbc: {  	[dreg:$0x0] =	wrdreg $0x60  }
0xbd: {  	[dreg:$0x2] =	wrdreg s18  }
0xbe: {  	[dreg:$0x3] =	wrdreg s24  }
0xbf: {  	[dreg:$0x4] =	wrdreg $0x9  }
0xc0: {  	_ =	task.clear_ibuf [dreg:s22], $0x5FFFF;
	_ =	strace $0x9000004F  }
0xc1: {  	s29 =	simm.s32 $0x9;
	_ =	strace $0x80000051  }
0xc2: {  	_ =	swait.ge [sflag:s29], $0x1  }
0xc3: {  	[sflag:s29] =	ssyncadd.s32 $0xFFFFFFFF  }
0xc4: {  	_ =	strace $0x90000051  }
0xc5: {  	_ =	sfence  }
0xc6: {  	s30 =	sld [smem:$0x0];
	_ =	sdelay $0x2  }
0xc7: {  	s31 =	sshll.u32 s1, $0xD;
	s1 =	sshrl.u32 s1, $0x2  }
0xc8: {  	s4 =	sand.u32 $0x4000, s31;
	s1 =	sadd.s32 s1, s30  }
0xc9: {  	s0 =	sor.u32 s4, s0;
	s1 =	sshll.u32 s1, $0x11  }
0xca: {  	s0 =	sor.u32 s1, s0  }
0xcb: {  	s0 =	sadd.s32 $0x8F2B, s0  }
0xcc: {  	[sflag:s0] =	ssyncadd.remote.s32 $0x1  }
0xcd: {  	_ =	sfence.sel $0xFFFF  }
0xce: {  	[dreg:$0x0] =	wrdreg $0xFFFFFFFF;
	(pc) =	sbr.abs _section_cstart, $3  }
0xcf: {  	[dreg:$0x1] =	wrdreg $0xFFFFFFFF  }
0xd0: {  	_ =	task.clear_ibuf [dreg:s22], $0x2FFFF;
	_ =	strace $0x9FFFFFFF  }
0xd1: {  	(tm) =	ssettm $0x7FFFFFFF  }
tec
execute0_lowered:
.L_overlay_start_1:
0x0: {  	(tag) =	ssettag $0x1  }
0x1: {  	s1 =	srdreg.scid  }
0x2: {  	s3 =	rddreg [dreg:$0x0];
	s0 =	stileid.u32;
	s17 =	sand.u32 $0x1, s1  }
0x3: {  	s11 =	rddreg [dreg:$0x1];
	s4 =	sshll.u32 s0, $0xA;
	s5 =	sshll.u32 s17, $0x9  }
0x4: {  	s2 =	simm.s32 $0x0;
	s1 =	rddreg [dreg:$0x2];
	s12 =	sor.u32 s5, s4  }
0x5: {  	[smem:$0x7FF] =	sst s2;
	s4 =	sshrl.u32 s12, $0x3  }
0x6: {  	_ =	strace $0x80000050;
	s4 =	sadd.s32 s3, s4;
	s3 =	simm.s32 $0x3  }
0x7: {  	[tilespmem:s2], [sflag:$0x3] =	stream.linear.gather [hbm4b:s4+s2], $0x80, $0x38;
	[tilespmem:$0x8100] =	vst v63  }
0x8: {  	_ =	swait.ge [sflag:s3], $0x80  }
0x9: {  	s6 =	simm.s32 $0x80;
	[sflag:s3] =	ssyncset.done $0x0  }
0xa: {  	s7 =	simm.s32 $0x100;
	s5 =	sadd.s32 $0x517400, s11;
	[sflag:s3] =	ssyncadd.s32 $0xFFFFFF80  }
0xb: {  	[tilespmem:s7], [sflag:$0x1] =	stream.indirect.gather [hbm4b:s5+s6], $0x80, s2, s6, $0xb8;
	[tilespmem:$0x8100] =	vst v63  }
0xc: {  	s8 =	sadd.s32 $0x10, s4  }
0xd: {  	[tilespmem:s6], [sflag:$0x3] =	stream.linear.gather [hbm4b:s8+s2], $0x80, $0x38;
	[tilespmem:$0x8100] =	vst v63  }
0xe: {  	_ =	swait.ge [sflag:s3], $0x80  }
0xf: {  	[sflag:s3] =	ssyncset.done $0x0  }
0x10: {  	s9 =	simm.s32 $0x4100;
	s10 =	simm.s32 $0x1;
	[sflag:s3] =	ssyncadd.s32 $0xFFFFFF80  }
0x11: {  	[tilespmem:s9], [sflag:$0x2] =	stream.indirect.gather [hbm4b:s5+s6], $0x80, s6, s6, $0xb8;
	[tilespmem:$0x8100] =	vst v63  }
0x12: {  	s12 =	sshll.u32 s12, $0x4;
	_ =	swait.ge [sflag:s10], $0x4000  }
0x13: {  	s18 =	sadd.s32 s12, s11;
	[sflag:s10] =	ssyncset.done $0x0  }
0x14: {  	s11 =	sadd.s32 $0xC3600, s18;
	[sflag:s10] =	ssyncadd.s32 $0xFFFFC000  }
0x15: {  	[hbm4b:s11+s2] =	stream.linear.scatter [tilespmem:s7], [sflag:$0x3], $0x4000, $0x38;
	[tilespmem:$0x8100] =	vst v63  }
0x16: {  	_ =	swait.ge [sflag:s3], $0x4000  }
0x17: {  	[sflag:s3] =	ssyncset.done $0x0  }
0x18: {  	s12 =	sadd.s32 $0x20, s4;
	[sflag:s3] =	ssyncadd.s32 $0xFFFFC000  }
0x19: {  	[tilespmem:s2], [sflag:$0x3] =	stream.linear.gather [hbm4b:s12+s2], $0x80, $0x38;
	[tilespmem:$0x8100] =	vst v63  }
0x1a: {  	_ =	swait.ge [sflag:s3], $0x80  }
0x1b: {  	[sflag:s3] =	ssyncset.done $0x0  }
0x1c: {  	s13 =	simm.s32 $0x2;
	[sflag:s3] =	ssyncadd.s32 $0xFFFFFF80  }
0x1d: {  	[tilespmem:s7], [sflag:$0x1] =	stream.indirect.gather [hbm4b:s5+s6], $0x80, s2, s6, $0xb8;
	[tilespmem:$0x8100] =	vst v63  }
0x1e: {  	_ =	swait.ge [sflag:s13], $0x4000  }
0x1f: {  	[sflag:s13] =	ssyncset.done $0x0  }
0x20: {  	s14 =	sadd.s32 $0xC3E00, s18;
	[sflag:s13] =	ssyncadd.s32 $0xFFFFC000  }
0x21: {  	[hbm4b:s14+s2] =	stream.linear.scatter [tilespmem:s9], [sflag:$0x3], $0x4000, $0x38;
	[tilespmem:$0x8100] =	vst v63  }
0x22: {  	_ =	swait.ge [sflag:s3], $0x4000  }
0x23: {  	[sflag:s3] =	ssyncset.done $0x0  }
0x24: {  	s15 =	sadd.s32 $0x30, s4;
	[sflag:s3] =	ssyncadd.s32 $0xFFFFC000  }
0x25: {  	[tilespmem:s6], [sflag:$0x3] =	stream.linear.gather [hbm4b:s15+s2], $0x80, $0x38;
	[tilespmem:$0x8100] =	vst v63  }
0x26: {  	_ =	swait.ge [sflag:s3], $0x80  }
0x27: {  	[sflag:s3] =	ssyncset.done $0x0  }
0x28: {  	[sflag:s3] =	ssyncadd.s32 $0xFFFFFF80  }
0x29: {  	[tilespmem:s9], [sflag:$0x2] =	stream.indirect.gather [hbm4b:s5+s6], $0x80, s6, s6, $0xb8;
	[tilespmem:$0x8100] =	vst v63  }
0x2a: {  	_ =	swait.ge [sflag:s10], $0x4000  }
0x2b: {  	[sflag:s10] =	ssyncset.done $0x0  }
0x2c: {  	s17 =	ssub.s32 $0x2, s17;
	s16 =	sadd.s32 $0xC4600, s18;
	[sflag:s10] =	ssyncadd.s32 $0xFFFFC000  }
0x2d: {  	[hbm4b:s16+s2] =	stream.linear.scatter [tilespmem:s7], [sflag:$0x3], $0x4000, $0x38;
	[tilespmem:$0x8100] =	vst v63  }
0x2e: {  	s19 =	sshrl.u32 s17, $0x1;
	_ =	swait.ge [sflag:s3], $0x4000  }
0x2f: {  	s17 =	ssub.s32 s17, s19;
	[sflag:s3] =	ssyncset.done $0x0  }
0x30: {  	s19 =	smax.u32 s17, $0x1;
	[sflag:s3] =	ssyncadd.s32 $0xFFFFC000  }
0x31: {  	p0 =	sne.s32 s19, $0x1;
	_ =	swait.ge [sflag:s13], $0x4000  }
.Ltmp0:
0x32: {  	[sflag:s13] =	ssyncset.done $0x0;
	(pc) =	sbr.rel @!p0 .LBB2_2-.Ltmp0, $4  }
0x33: {  	s17 =	sadd.s32 $0xC4E00, s18;
	[sflag:s13] =	ssyncadd.s32 $0xFFFFC000  }
0x34: {  	[hbm4b:s17+s2] =	stream.linear.scatter [tilespmem:s9], [sflag:$0x3], $0x4000, $0x38;
	[tilespmem:$0x8100] =	vst v63  }
0x35: {  	_ =	swait.ge [sflag:s3], $0x4000  }
0x36: {  	s18 =	sadd.s32 $0xFFFFFFFF, s19;
	[sflag:s3] =	ssyncset.done $0x0  }
.LBB2_1:
0x37: {  	p0 =	sne.s32 s18, $0x1;
	s18 =	sadd.s32 $0xFFFFFFFF, s18;
	[sflag:s3] =	ssyncadd.s32 $0xFFFFC000  }
0x38: {  	[tilespmem:s2], [sflag:$0x3] =	stream.linear.gather [hbm4b:s4+s2], $0x80, $0x38;
	[tilespmem:$0x8100] =	vst v63  }
0x39: {  	_ =	swait.ge [sflag:s3], $0x80  }
0x3a: {  	[sflag:s3] =	ssyncset.done $0x0  }
0x3b: {  	[sflag:s3] =	ssyncadd.s32 $0xFFFFFF80  }
0x3c: {  	[tilespmem:s7], [sflag:$0x1] =	stream.indirect.gather [hbm4b:s5+s6], $0x80, s2, s6, $0xb8;
	[tilespmem:$0x8100] =	vst v63  }
0x3d: {  	_ = 	snop  }
0x3e: {  	[tilespmem:s6], [sflag:$0x3] =	stream.linear.gather [hbm4b:s8+s2], $0x80, $0x38;
	[tilespmem:$0x8100] =	vst v63  }
0x3f: {  	_ =	swait.ge [sflag:s3], $0x80  }
0x40: {  	[sflag:s3] =	ssyncset.done $0x0  }
0x41: {  	[sflag:s3] =	ssyncadd.s32 $0xFFFFFF80  }
0x42: {  	[tilespmem:s9], [sflag:$0x2] =	stream.indirect.gather [hbm4b:s5+s6], $0x80, s6, s6, $0xb8;
	[tilespmem:$0x8100] =	vst v63  }
0x43: {  	_ =	swait.ge [sflag:s10], $0x4000  }
0x44: {  	[sflag:s10] =	ssyncset.done $0x0  }
0x45: {  	[sflag:s10] =	ssyncadd.s32 $0xFFFFC000  }
0x46: {  	[hbm4b:s11+s2] =	stream.linear.scatter [tilespmem:s7], [sflag:$0x3], $0x4000, $0x38;
	[tilespmem:$0x8100] =	vst v63  }
0x47: {  	_ =	swait.ge [sflag:s3], $0x4000  }
0x48: {  	[sflag:s3] =	ssyncset.done $0x0  }
0x49: {  	[sflag:s3] =	ssyncadd.s32 $0xFFFFC000  }
0x4a: {  	[tilespmem:s2], [sflag:$0x3] =	stream.linear.gather [hbm4b:s12+s2], $0x80, $0x38;
	[tilespmem:$0x8100] =	vst v63  }
0x4b: {  	_ =	swait.ge [sflag:s3], $0x80  }
0x4c: {  	[sflag:s3] =	ssyncset.done $0x0  }
0x4d: {  	[sflag:s3] =	ssyncadd.s32 $0xFFFFFF80  }
0x4e: {  	[tilespmem:s7], [sflag:$0x1] =	stream.indirect.gather [hbm4b:s5+s6], $0x80, s2, s6, $0xb8;
	[tilespmem:$0x8100] =	vst v63  }
0x4f: {  	_ =	swait.ge [sflag:s13], $0x4000  }
0x50: {  	[sflag:s13] =	ssyncset.done $0x0  }
0x51: {  	[sflag:s13] =	ssyncadd.s32 $0xFFFFC000  }
0x52: {  	[hbm4b:s14+s2] =	stream.linear.scatter [tilespmem:s9], [sflag:$0x3], $0x4000, $0x38;
	[tilespmem:$0x8100] =	vst v63  }
0x53: {  	_ =	swait.ge [sflag:s3], $0x4000  }
0x54: {  	[sflag:s3] =	ssyncset.done $0x0  }
0x55: {  	[sflag:s3] =	ssyncadd.s32 $0xFFFFC000  }
0x56: {  	[tilespmem:s6], [sflag:$0x3] =	stream.linear.gather [hbm4b:s15+s2], $0x80, $0x38;
	[tilespmem:$0x8100] =	vst v63  }
0x57: {  	_ =	swait.ge [sflag:s3], $0x80  }
0x58: {  	[sflag:s3] =	ssyncset.done $0x0  }
0x59: {  	[sflag:s3] =	ssyncadd.s32 $0xFFFFFF80  }
0x5a: {  	[tilespmem:s9], [sflag:$0x2] =	stream.indirect.gather [hbm4b:s5+s6], $0x80, s6, s6, $0xb8;
	[tilespmem:$0x8100] =	vst v63  }
0x5b: {  	_ =	swait.ge [sflag:s10], $0x4000  }
0x5c: {  	[sflag:s10] =	ssyncset.done $0x0  }
0x5d: {  	[sflag:s10] =	ssyncadd.s32 $0xFFFFC000  }
0x5e: {  	[hbm4b:s16+s2] =	stream.linear.scatter [tilespmem:s7], [sflag:$0x3], $0x4000, $0x38;
	[tilespmem:$0x8100] =	vst v63  }
0x5f: {  	_ =	swait.ge [sflag:s3], $0x4000  }
0x60: {  	[sflag:s3] =	ssyncset.done $0x0  }
0x61: {  	[sflag:s3] =	ssyncadd.s32 $0xFFFFC000  }
0x62: {  	_ =	swait.ge [sflag:s13], $0x4000  }
.Ltmp1:
0x63: {  	[sflag:s13] =	ssyncset.done $0x0;
	(pc) =	sbr.rel @p0 .LBB2_1-.Ltmp1, $4  }
0x64: {  	[sflag:s13] =	ssyncadd.s32 $0xFFFFC000  }
0x65: {  	[hbm4b:s17+s2] =	stream.linear.scatter [tilespmem:s9], [sflag:$0x3], $0x4000, $0x38;
	[tilespmem:$0x8100] =	vst v63  }
0x66: {  	_ =	swait.ge [sflag:s3], $0x4000  }
0x67: {  	[sflag:s3] =	ssyncset.done $0x0  }
.LBB2_2:
0x68: {  	[sflag:s3] =	ssyncadd.s32 $0xFFFFC000  }
0x69: {  	_ =	sfence.sel $0x180000  }
0x6a: {  	[bflag:$0x0] =	sbarrier.arrive $0xFFFF  }
0x6b: {  	p0 =	sne.s32 s0, $0x0;
	_ =	strace $0x90000050  }
0x6c: {  	s0 =	sadd.s32 @!p0 $0x100000, s1;
	[bflag:$0x2] =	sbarrier.arrive $0xFFFF  }
0x6d: {  	[sflag:s0] =	ssyncadd.tile.s32 @!p0 $0x1;
	_ =	shalt  }
.Lfunc_end2:
_tile_overlayer_lowered:
.L_overlay_start_2:
0x6e: {  	(tag) =	ssettag $0x2  }
0x6f: {  	s0 =	rddreg [dreg:$0x0];
	s2 =	stileid.u32  }
0x70: {  	s1 =	rddreg [dreg:$0x1];
	p0 =	sne.s32 s2, $0x0  }
0x71: {  	s3 =	rddreg [dreg:$0x2];
	[bflag:$0x3] =	sbarrier.arrive $0xFFFF;
	s2 =	simm.s32 @!p0 $0x1C03  }
0x72: {  	[timem:s3], [sflag:s2] =	dma.local @!p0 [hbm:s0], s1  }
0x73: {  	s0 =	simm.s32 @!p0 $0x3  }
0x74: {  	_ =	swait.ge @!p0 [sflag:s0], s1  }
0x75: {  	s1 =	ssub.s32 @!p0 $0x0, s1;
	[sflag:s0] =	ssyncset.done @!p0 $0x0  }
0x76: {  	[sflag:s0] =	ssyncadd.s32 @!p0 s1  }
0x77: {  	[bflag:$0x3] =	sbarrier.arrive $0xFFFF  }
0x78: {  	_ =	shalt  }

</sc_bundles>
